<compile_context>
chip_gen: v7x
topology: tpu7x:2x2x1
jax: 0.10.2.dev20260603
libtpu: 0.0.44.dev20260713+nightly
codegen_flags: <defaults>
</compile_context>

<pallas_src>
import functools

import jax
import jax.numpy as jnp
from jax import lax
from jax.experimental import pallas as pl
from jax.experimental.pallas import tpu as pltpu
from jax.experimental.pallas import tpu_sc as plsc

N = 10000
D = 128
C = 64
F = C + D
G = F // 2
E = 320000

NC = 2
NS = 16
K = 64
S = 4
L = 2
CH = 314
EP = NS * CH * K
ROWS_PER_TILE = 632
ACC_ROWS = NS * ROWS_PER_TILE


def _prep_body(logits_ref, h_ref, out_ref):
    out_ref[0, :, :C] = jax.nn.softmax(logits_ref[...], axis=-1)
    out_ref[0, :, C:] = h_ref[:, : G - C]
    out_ref[1] = h_ref[:, G - C:]


def _prep(logits, h):
    grid = 5
    rb = N // grid
    tabs = pl.pallas_call(
        _prep_body,
        grid=(grid,),
        in_specs=[
            pl.BlockSpec((rb, C), lambda i: (i, 0)),
            pl.BlockSpec((rb, D), lambda i: (i, 0)),
        ],
        out_specs=pl.BlockSpec((2, rb, G), lambda i: (0, i, 0)),
        out_shape=jax.ShapeDtypeStruct((2, N, G), jnp.float32),
    )(logits, h)
    return tabs.reshape(2 * N, G)


def _sc_body(tab, src_hbm, dst_hbm, zero_hbm, out_hbm, *scr):
    c = lax.axis_index("c")
    s = lax.axis_index("s")
    src_v, dst_v = scr[0], scr[1]
    bufs = scr[2:2 + S]
    accum = scr[2 + S]
    sgs = scr[3 + S:3 + 2 * S]
    sss = scr[3 + 2 * S:3 + 3 * S]

    def gather(t, m):
        pltpu.async_copy(tab.at[src_v.at[t]], bufs[m], sgs[m])

    def wait_gather(t, m):
        pltpu.make_async_copy(tab.at[src_v.at[t]], bufs[m], sgs[m]).wait()

    def scatter(t, m):
        pltpu.async_copy(bufs[m], accum.at[dst_v.at[t]], sss[m], add=True)

    def wait_scatter(t, m):
        pltpu.make_async_copy(bufs[m], accum.at[dst_v.at[t]], sss[m]).wait()

    pltpu.sync_copy(zero_hbm, accum.at[pl.ds(s * ROWS_PER_TILE, ROWS_PER_TILE)])
    plsc.subcore_barrier()

    pltpu.sync_copy(src_hbm.at[c, s], src_v)
    pltpu.sync_copy(dst_hbm.at[s], dst_v)

    gather(0, 0)
    gather(1, 1)
    gather(2, 2)
    wait_gather(0, 0)
    scatter(0, 0)
    gather(3, 3)
    wait_gather(1, 1)
    scatter(1, 1)
    wait_scatter(0, 0)
    gather(4, 0)
    wait_gather(2, 2)
    scatter(2, 2)
    wait_scatter(1, 1)
    gather(5, 1)
    wait_gather(3, 3)
    scatter(3, 3)

    def group(gi, _):
        t0 = 2 + 4 * gi
        for m in range(4):
            gslot = (2 + m) % 4
            wait_scatter(t0 + m - 4, gslot)
            gather(t0 + m, gslot)
            wait_gather(t0 + m - 2, m)
            scatter(t0 + m - 2, m)
        return 0

    lax.fori_loop(1, (CH - 2) // 4, group, 0)
    wait_gather(CH - 2, (CH - 2) % 4)
    scatter(CH - 2, (CH - 2) % 4)
    wait_gather(CH - 1, (CH - 1) % 4)
    scatter(CH - 1, (CH - 1) % 4)
    for t in range(CH - 4, CH):
        wait_scatter(t, t % 4)

    plsc.subcore_barrier()

    r0 = s * ROWS_PER_TILE
    pltpu.sync_copy(accum.at[pl.ds(r0, ROWS_PER_TILE)],
                    out_hbm.at[c].at[pl.ds(r0, ROWS_PER_TILE)])


def _sc_segment_sum(tab, srcb, dstb, zero):
    mesh = plsc.VectorSubcoreMesh(core_axis_name="c", subcore_axis_name="s")
    f = functools.partial(
        pl.kernel,
        out_type=jax.ShapeDtypeStruct((NC, ACC_ROWS, G), jnp.float32),
        mesh=mesh,
        scratch_types=(
            [pltpu.VMEM((CH, K), jnp.int32),
             pltpu.VMEM((CH, K), jnp.int32)]
            + [pltpu.VMEM((K, G), jnp.float32) for _ in range(S)]
            + [pltpu.VMEM_SHARED((ACC_ROWS, G), jnp.float32)]
            + [pltpu.SemaphoreType.DMA for _ in range(2 * S)]
        ),
        compiler_params=pltpu.CompilerParams(use_tc_tiling_on_sc=False),
    )(_sc_body)
    return f(tab, srcb, dstb, zero)


_GRID = 5
_RB = N // _GRID


def _stats_body(ta_ref, part_ref, norm_ref, f1_ref, f2_ref, ps_ref):
    p = ta_ref[:, :C]
    nrm = norm_ref[...]
    p_bar = part_ref[0, :, :C] * nrm
    eps = 1e-12
    f1 = -jnp.sum(p_bar * jnp.log(p_bar + eps), axis=-1, keepdims=True)
    f2 = jnp.sum(p * (jnp.log(p + eps) - jnp.log(p_bar + eps)),
                 axis=-1, keepdims=True)
    f1_ref[...] = f1
    f2_ref[...] = f2
    m1 = jnp.mean(f1)
    m2 = jnp.mean(f2)
    ps_ref[...] = jnp.stack(
        [m1, jnp.sum((f1 - m1) ** 2), m2, jnp.sum((f2 - m2) ** 2),
         m1, m1, m1, m1]).reshape(1, 1, 8)


def _update_body(ta_ref, tb_ref, part_ref, norm_ref, f1_ref, f2_ref, ps_ref,
                 oldz_ref, tau1_ref, tau2_ref, newh_ref, z_ref):
    ps = ps_ref[:, 0, :]
    mu1 = jnp.mean(ps[:, 0:1])
    mu2 = jnp.mean(ps[:, 2:3])
    var1 = (jnp.sum(ps[:, 1:2]) + _RB * jnp.sum((ps[:, 0:1] - mu1) ** 2)) / N
    var2 = (jnp.sum(ps[:, 3:4]) + _RB * jnp.sum((ps[:, 2:3] - mu2) ** 2)) / N
    nf1 = (f1_ref[...] - mu1) / jnp.sqrt(var1 + 1e-5)
    nf2 = (f2_ref[...] - mu2) / jnp.sqrt(var2 + 1e-5)
    z = (jax.nn.sigmoid(-(nf1 - tau1_ref[0, 0]))
         * jax.nn.sigmoid(-(nf2 - tau2_ref[0, 0])))
    gate = jnp.minimum(oldz_ref[...], z)
    h = jnp.concatenate([ta_ref[:, C:], tb_ref[...]], axis=-1)
    agg = jnp.concatenate([part_ref[0, :, C:], part_ref[1]], axis=-1)
    normagg = jnp.maximum(agg * norm_ref[...], 0.0)
    newh_ref[...] = h + gate * normagg
    z_ref[...] = z


def _finalize(tab, parts, norm, old_z, tau_1, tau_2):
    f1, f2, ps = pl.pallas_call(
        _stats_body,
        grid=(_GRID,),
        in_specs=[
            pl.BlockSpec((_RB, G), lambda i: (i, 0)),
            pl.BlockSpec((2, _RB, G), lambda i: (0, i, 0)),
            pl.BlockSpec((_RB, 1), lambda i: (i, 0)),
        ],
        out_specs=(pl.BlockSpec((_RB, 1), lambda i: (i, 0)),
                   pl.BlockSpec((_RB, 1), lambda i: (i, 0)),
                   pl.BlockSpec((1, 1, 8), lambda i: (i, 0, 0))),
        out_shape=(jax.ShapeDtypeStruct((N, 1), jnp.float32),
                   jax.ShapeDtypeStruct((N, 1), jnp.float32),
                   jax.ShapeDtypeStruct((_GRID, 1, 8), jnp.float32)),
    )(tab, parts, norm)
    new_h, z = pl.pallas_call(
        _update_body,
        grid=(_GRID,),
        in_specs=[
            pl.BlockSpec((_RB, G), lambda i: (i, 0)),
            pl.BlockSpec((_RB, G), lambda i: (_GRID + i, 0)),
            pl.BlockSpec((2, _RB, G), lambda i: (0, i, 0)),
            pl.BlockSpec((_RB, 1), lambda i: (i, 0)),
            pl.BlockSpec((_RB, 1), lambda i: (i, 0)),
            pl.BlockSpec((_RB, 1), lambda i: (i, 0)),
            pl.BlockSpec((_GRID, 1, 8), lambda i: (0, 0, 0)),
            pl.BlockSpec((_RB, 1), lambda i: (i, 0)),
            pl.BlockSpec((1, 1), lambda i: (0, 0)),
            pl.BlockSpec((1, 1), lambda i: (0, 0)),
        ],
        out_specs=(pl.BlockSpec((_RB, D), lambda i: (i, 0)),
                   pl.BlockSpec((_RB, 1), lambda i: (i, 0))),
        out_shape=(jax.ShapeDtypeStruct((N, D), jnp.float32),
                   jax.ShapeDtypeStruct((N, 1), jnp.float32)),
    )(tab, tab, parts, norm, f1, f2, ps, old_z.reshape(N, 1),
      tau_1.reshape(1, 1), tau_2.reshape(1, 1))
    return new_h, z


def kernel(h, logits, old_z, norm, tau_1, tau_2, edge_index):
    tab = _prep(logits, h)
    pad = EP - E
    src = jnp.concatenate([edge_index[0], jnp.zeros((pad,), jnp.int32)])
    dst = jnp.concatenate([edge_index[1], jnp.full((pad,), N, jnp.int32)])
    srcb = jnp.stack([src, src + N]).reshape(NC, NS, CH, K)
    dstb = dst.reshape(NS, CH, K)
    zero = jnp.zeros((ROWS_PER_TILE, G), jnp.float32)
    parts = _sc_segment_sum(tab, srcb, dstb, zero)
    new_h, z = _finalize(tab, parts, norm, old_z, tau_1, tau_2)
    return new_h, z.reshape(N)

# --- scband reference (transcript-rebuilt; emitter-appended) ---
"""Pipeline reference for scband-gated-layer-45303315038878 (READ-ONLY COPY).

The authoritative reference and input builder live on the scoring server;
editing this copy changes nothing except your own understanding.
"""

import jax, jax.numpy as jnp
import numpy as np

N = 10000
E = 320000
D = 128
C = 64

def setup_inputs(seed: int = 0):
    key = jax.random.key(seed)
    k1, k2, k3, k4 = jax.random.split(key, 4)
    h = jax.random.normal(k1, (N, D), dtype=jnp.float32)
    logits = jax.random.normal(k2, (N, C), dtype=jnp.float32)
    old_z = jax.random.uniform(k3, (N,), dtype=jnp.float32)
    edge_index = jax.random.randint(k4, (2, E), 0, N, dtype=jnp.int32)
    deg = jax.ops.segment_sum(jnp.ones((E,), dtype=jnp.float32), edge_index[1], num_segments=N)
    norm = (1.0 / jnp.maximum(deg, 1.0))[:, None]
    tau_1 = jnp.full((1,), 0.5, dtype=jnp.float32)
    tau_2 = jnp.full((1,), 0.5, dtype=jnp.float32)
    return {"h": h, "logits": logits, "old_z": old_z, "norm": norm, "tau_1": tau_1, "tau_2": tau_2, "edge_index": edge_index}

def _layernorm(x, eps=1e-5):
    mu = jnp.mean(x)
    var = jnp.var(x)
    return (x - mu) / jnp.sqrt(var + eps)

def reference(h, logits, old_z, norm, tau_1, tau_2, edge_index):
    # eval mode: dropout is identity
    src = edge_index[0]
    dst = edge_index[1]
    # adaptive_reduce_func: neighborhood statistics from neighbor logits
    p = jax.nn.softmax(logits, axis=-1)
    deg = jax.ops.segment_sum(jnp.ones_like(dst, dtype=h.dtype), dst, num_segments=N)
    p_bar = jax.ops.segment_sum(p[src], dst, num_segments=N) / jnp.maximum(deg, 1.0)[:, None]
    eps = 1e-12
    # f1: entropy of averaged neighbor class distribution
    f1 = -jnp.sum(p_bar * jnp.log(p_bar + eps), axis=-1)
    # f2: KL divergence between center distribution and neighbor average
    f2 = jnp.sum(p * (jnp.log(p + eps) - jnp.log(p_bar + eps)), axis=-1)
    norm_f1 = _layernorm(f1)
    norm_f2 = _layernorm(f2)
    # shared_tau=True path: tau passed in
    z = jax.nn.sigmoid(-(norm_f1 - tau_1[0])) * jax.nn.sigmoid(-(norm_f2 - tau_2[0]))
    gate = jnp.minimum(old_z, z)
    # copy_u('h') + sum reduce == scatter-add of source features to dst
    agg = jax.ops.segment_sum(h[src], dst, num_segments=N)
    normagg = agg * norm
    normagg = jax.nn.relu(normagg)
    new_h = h + gate[:, None] * normagg
    return (new_h, z)

if __name__ == "__main__":
    import jax
    _d = setup_inputs()
    print(jax.jit(kernel)(*tuple(_d.values())))

</pallas_src>

<mosaic_0001>
#map = affine_map<(d0, d1) -> (0, 0)>
#map1 = affine_map<(d0, d1) -> (0, 0, 0, 0)>
#map2 = affine_map<(d0, d1) -> (0, 0, 0)>
module attributes {stable_mosaic.version = 14 : i64} {
  func.func @_sc_body(%arg0: i32, %arg1: i32, %arg2: memref<20000x96xf32, #tpu.memory_space<hbm>>, %arg3: memref<2x16x314x64xi32, #tpu.memory_space<hbm>>, %arg4: memref<16x314x64xi32, #tpu.memory_space<hbm>>, %arg5: memref<632x96xf32, #tpu.memory_space<hbm>>, %arg6: memref<2x10112x96xf32, #tpu.memory_space<hbm>>, %arg7: memref<314x64xi32, #tpu.memory_space<vmem>>, %arg8: memref<314x64xi32, #tpu.memory_space<vmem>>, %arg9: memref<64x96xf32, #tpu.memory_space<vmem>>, %arg10: memref<64x96xf32, #tpu.memory_space<vmem>>, %arg11: memref<64x96xf32, #tpu.memory_space<vmem>>, %arg12: memref<64x96xf32, #tpu.memory_space<vmem>>, %arg13: memref<10112x96xf32, #tpu.memory_space<vmem_shared>>, %arg14: memref<!tpu.dma_semaphore, #tpu.memory_space<semaphore_mem>>, %arg15: memref<!tpu.dma_semaphore, #tpu.memory_space<semaphore_mem>>, %arg16: memref<!tpu.dma_semaphore, #tpu.memory_space<semaphore_mem>>, %arg17: memref<!tpu.dma_semaphore, #tpu.memory_space<semaphore_mem>>, %arg18: memref<!tpu.dma_semaphore, #tpu.memory_space<semaphore_mem>>, %arg19: memref<!tpu.dma_semaphore, #tpu.memory_space<semaphore_mem>>, %arg20: memref<!tpu.dma_semaphore, #tpu.memory_space<semaphore_mem>>, %arg21: memref<!tpu.dma_semaphore, #tpu.memory_space<semaphore_mem>>) attributes {dimension_semantics = [#tpu.dimension_semantics<core_parallel>, #tpu.dimension_semantics<subcore_parallel>], iteration_bounds = array<i64: 2, 16>, scalar_prefetch = 0 : i64, scratch_operands = 15 : i64, tpu.core_type = #tpu.core_type<sc_vector_subcore>, window_params = [{transform_indices = #map}, {transform_indices = #map1}, {transform_indices = #map2}, {transform_indices = #map}, {transform_indices = #map2}]} {
    %mul3A = arith.constant 632 : i32
    %mul3A_0 = arith.muli %arg1, %mul3A : i32
    "tpu.region"() ({
      %run_scoped3A = tpu.sem_alloc : memref<!tpu.dma_semaphore, #tpu.memory_space<semaphore_mem>>
      %dma_start3A_176 = arith.constant 0 : i32
      %dma_start3A_177 = tpu.memref_slice %arg13[%mul3A_0, %dma_start3A_176] : memref<10112x96xf32, #tpu.memory_space<vmem_shared>> -> memref<632x96xf32, #tpu.memory_space<vmem_shared>>
      tpu.enqueue_dma source(%arg5 : memref<632x96xf32, #tpu.memory_space<hbm>>) target(%dma_start3A_177 : memref<632x96xf32, #tpu.memory_space<vmem_shared>>) target_semaphore(%run_scoped3A : memref<!tpu.dma_semaphore, #tpu.memory_space<semaphore_mem>>)
      %dma_wait3A_178 = arith.constant 0 : i32
      %dma_wait3A_179 = tpu.memref_slice %arg13[%mul3A_0, %dma_wait3A_178] : memref<10112x96xf32, #tpu.memory_space<vmem_shared>> -> memref<632x96xf32, #tpu.memory_space<vmem_shared>>
      tpu.wait_dma2 semaphore(%run_scoped3A : memref<!tpu.dma_semaphore, #tpu.memory_space<semaphore_mem>>) src(%arg5 : memref<632x96xf32, #tpu.memory_space<hbm>>) dst(%dma_wait3A_179 : memref<632x96xf32, #tpu.memory_space<vmem_shared>>)
      tpu.yield
    }) : () -> ()
    %barrier3A = arith.constant 0 : index
    tpu.barrier barrier_id(%barrier3A)
    "tpu.region"() ({
      %run_scoped3A = tpu.sem_alloc : memref<!tpu.dma_semaphore, #tpu.memory_space<semaphore_mem>>
      %dma_start3A_176 = arith.constant 0 : i32
      %dma_start3A_177 = arith.constant 0 : i32
      %dma_start3A_178 = tpu.memref_slice %arg3[%arg0, %arg1, %dma_start3A_176, %dma_start3A_177] : memref<2x16x314x64xi32, #tpu.memory_space<hbm>> -> memref<1x1x314x64xi32, #tpu.memory_space<hbm>>
      %dma_start3A_179 = tpu.memref_squeeze %dma_start3A_178 : memref<1x1x314x64xi32, #tpu.memory_space<hbm>> -> memref<314x64xi32, #tpu.memory_space<hbm>>
      %dma_start3A_180 = arith.constant 0 : i32
      %dma_start3A_181 = arith.constant 0 : i32
      %dma_start3A_182 = tpu.memref_slice %arg3[%arg0, %arg1, %dma_start3A_180, %dma_start3A_181] : memref<2x16x314x64xi32, #tpu.memory_space<hbm>> -> memref<1x1x314x64xi32, #tpu.memory_space<hbm>>
      %dma_start3A_183 = tpu.memref_squeeze %dma_start3A_182 : memref<1x1x314x64xi32, #tpu.memory_space<hbm>> -> memref<314x64xi32, #tpu.memory_space<hbm>>
      tpu.enqueue_dma source(%dma_start3A_183 : memref<314x64xi32, #tpu.memory_space<hbm>>) target(%arg7 : memref<314x64xi32, #tpu.memory_space<vmem>>) target_semaphore(%run_scoped3A : memref<!tpu.dma_semaphore, #tpu.memory_space<semaphore_mem>>)
      %dma_wait3A_184 = arith.constant 0 : i32
      %dma_wait3A_185 = arith.constant 0 : i32
      %dma_wait3A_186 = tpu.memref_slice %arg3[%arg0, %arg1, %dma_wait3A_184, %dma_wait3A_185] : memref<2x16x314x64xi32, #tpu.memory_space<hbm>> -> memref<1x1x314x64xi32, #tpu.memory_space<hbm>>
      %dma_wait3A_187 = tpu.memref_squeeze %dma_wait3A_186 : memref<1x1x314x64xi32, #tpu.memory_space<hbm>> -> memref<314x64xi32, #tpu.memory_space<hbm>>
      %dma_wait3A_188 = arith.constant 0 : i32
      %dma_wait3A_189 = arith.constant 0 : i32
      %dma_wait3A_190 = tpu.memref_slice %arg3[%arg0, %arg1, %dma_wait3A_188, %dma_wait3A_189] : memref<2x16x314x64xi32, #tpu.memory_space<hbm>> -> memref<1x1x314x64xi32, #tpu.memory_space<hbm>>
      %dma_wait3A_191 = tpu.memref_squeeze %dma_wait3A_190 : memref<1x1x314x64xi32, #tpu.memory_space<hbm>> -> memref<314x64xi32, #tpu.memory_space<hbm>>
      tpu.wait_dma2 semaphore(%run_scoped3A : memref<!tpu.dma_semaphore, #tpu.memory_space<semaphore_mem>>) src(%dma_wait3A_191 : memref<314x64xi32, #tpu.memory_space<hbm>>) dst(%arg7 : memref<314x64xi32, #tpu.memory_space<vmem>>)
      tpu.yield
    }) : () -> ()
    "tpu.region"() ({
      %run_scoped3A = tpu.sem_alloc : memref<!tpu.dma_semaphore, #tpu.memory_space<semaphore_mem>>
      %dma_start3A_176 = arith.constant 0 : i32
      %dma_start3A_177 = arith.constant 0 : i32
      %dma_start3A_178 = tpu.memref_slice %arg4[%arg1, %dma_start3A_176, %dma_start3A_177] : memref<16x314x64xi32, #tpu.memory_space<hbm>> -> memref<1x314x64xi32, #tpu.memory_space<hbm>>
      %dma_start3A_179 = tpu.memref_squeeze %dma_start3A_178 : memref<1x314x64xi32, #tpu.memory_space<hbm>> -> memref<314x64xi32, #tpu.memory_space<hbm>>
      %dma_start3A_180 = arith.constant 0 : i32
      %dma_start3A_181 = arith.constant 0 : i32
      %dma_start3A_182 = tpu.memref_slice %arg4[%arg1, %dma_start3A_180, %dma_start3A_181] : memref<16x314x64xi32, #tpu.memory_space<hbm>> -> memref<1x314x64xi32, #tpu.memory_space<hbm>>
      %dma_start3A_183 = tpu.memref_squeeze %dma_start3A_182 : memref<1x314x64xi32, #tpu.memory_space<hbm>> -> memref<314x64xi32, #tpu.memory_space<hbm>>
      tpu.enqueue_dma source(%dma_start3A_183 : memref<314x64xi32, #tpu.memory_space<hbm>>) target(%arg8 : memref<314x64xi32, #tpu.memory_space<vmem>>) target_semaphore(%run_scoped3A : memref<!tpu.dma_semaphore, #tpu.memory_space<semaphore_mem>>)
      %dma_wait3A_184 = arith.constant 0 : i32
      %dma_wait3A_185 = arith.constant 0 : i32
      %dma_wait3A_186 = tpu.memref_slice %arg4[%arg1, %dma_wait3A_184, %dma_wait3A_185] : memref<16x314x64xi32, #tpu.memory_space<hbm>> -> memref<1x314x64xi32, #tpu.memory_space<hbm>>
      %dma_wait3A_187 = tpu.memref_squeeze %dma_wait3A_186 : memref<1x314x64xi32, #tpu.memory_space<hbm>> -> memref<314x64xi32, #tpu.memory_space<hbm>>
      %dma_wait3A_188 = arith.constant 0 : i32
      %dma_wait3A_189 = arith.constant 0 : i32
      %dma_wait3A_190 = tpu.memref_slice %arg4[%arg1, %dma_wait3A_188, %dma_wait3A_189] : memref<16x314x64xi32, #tpu.memory_space<hbm>> -> memref<1x314x64xi32, #tpu.memory_space<hbm>>
      %dma_wait3A_191 = tpu.memref_squeeze %dma_wait3A_190 : memref<1x314x64xi32, #tpu.memory_space<hbm>> -> memref<314x64xi32, #tpu.memory_space<hbm>>
      tpu.wait_dma2 semaphore(%run_scoped3A : memref<!tpu.dma_semaphore, #tpu.memory_space<semaphore_mem>>) src(%dma_wait3A_191 : memref<314x64xi32, #tpu.memory_space<hbm>>) dst(%arg8 : memref<314x64xi32, #tpu.memory_space<vmem>>)
      tpu.yield
    }) : () -> ()
    %dma_start3A = arith.constant 0 : i32
    %dma_start3A_1 = arith.constant 0 : i32
    %dma_start3A_2 = tpu.memref_slice %arg7[%dma_start3A, %dma_start3A_1] : memref<314x64xi32, #tpu.memory_space<vmem>> -> memref<1x64xi32, #tpu.memory_space<vmem>>
    %dma_start3A_3 = tpu.memref_squeeze %dma_start3A_2 : memref<1x64xi32, #tpu.memory_space<vmem>> -> memref<64xi32, #tpu.memory_space<vmem>>
    %dma_start3A_4 = arith.constant 0 : i32
    %dma_start3A_5 = arith.constant 0 : i32
    %dma_start3A_6 = tpu.memref_slice %arg2[%dma_start3A_4, %dma_start3A_5] : memref<20000x96xf32, #tpu.memory_space<hbm>> -> memref<20000x96xf32, #tpu.memory_space<hbm>>
    tpu.enqueue_indirect_dma source(%dma_start3A_6 : memref<20000x96xf32, #tpu.memory_space<hbm>>) target(%arg9 : memref<64x96xf32, #tpu.memory_space<vmem>>) offsets(%dma_start3A_3 : memref<64xi32, #tpu.memory_space<vmem>>) semaphore(%arg14 : memref<!tpu.dma_semaphore, #tpu.memory_space<semaphore_mem>>)
    %dma_start3A_7 = arith.constant 1 : i32
    %dma_start3A_8 = arith.constant 0 : i32
    %dma_start3A_9 = tpu.memref_slice %arg7[%dma_start3A_7, %dma_start3A_8] : memref<314x64xi32, #tpu.memory_space<vmem>> -> memref<1x64xi32, #tpu.memory_space<vmem>>
    %dma_start3A_10 = tpu.memref_squeeze %dma_start3A_9 : memref<1x64xi32, #tpu.memory_space<vmem>> -> memref<64xi32, #tpu.memory_space<vmem>>
    %dma_start3A_11 = arith.constant 0 : i32
    %dma_start3A_12 = arith.constant 0 : i32
    %dma_start3A_13 = tpu.memref_slice %arg2[%dma_start3A_11, %dma_start3A_12] : memref<20000x96xf32, #tpu.memory_space<hbm>> -> memref<20000x96xf32, #tpu.memory_space<hbm>>
    tpu.enqueue_indirect_dma source(%dma_start3A_13 : memref<20000x96xf32, #tpu.memory_space<hbm>>) target(%arg10 : memref<64x96xf32, #tpu.memory_space<vmem>>) offsets(%dma_start3A_10 : memref<64xi32, #tpu.memory_space<vmem>>) semaphore(%arg15 : memref<!tpu.dma_semaphore, #tpu.memory_space<semaphore_mem>>)
    %dma_start3A_14 = arith.constant 2 : i32
    %dma_start3A_15 = arith.constant 0 : i32
    %dma_start3A_16 = tpu.memref_slice %arg7[%dma_start3A_14, %dma_start3A_15] : memref<314x64xi32, #tpu.memory_space<vmem>> -> memref<1x64xi32, #tpu.memory_space<vmem>>
    %dma_start3A_17 = tpu.memref_squeeze %dma_start3A_16 : memref<1x64xi32, #tpu.memory_space<vmem>> -> memref<64xi32, #tpu.memory_space<vmem>>
    %dma_start3A_18 = arith.constant 0 : i32
    %dma_start3A_19 = arith.constant 0 : i32
    %dma_start3A_20 = tpu.memref_slice %arg2[%dma_start3A_18, %dma_start3A_19] : memref<20000x96xf32, #tpu.memory_space<hbm>> -> memref<20000x96xf32, #tpu.memory_space<hbm>>
    tpu.enqueue_indirect_dma source(%dma_start3A_20 : memref<20000x96xf32, #tpu.memory_space<hbm>>) target(%arg11 : memref<64x96xf32, #tpu.memory_space<vmem>>) offsets(%dma_start3A_17 : memref<64xi32, #tpu.memory_space<vmem>>) semaphore(%arg16 : memref<!tpu.dma_semaphore, #tpu.memory_space<semaphore_mem>>)
    %dma_wait3A = arith.constant 0 : i32
    %dma_wait3A_21 = arith.constant 0 : i32
    %dma_wait3A_22 = tpu.memref_slice %arg7[%dma_wait3A, %dma_wait3A_21] : memref<314x64xi32, #tpu.memory_space<vmem>> -> memref<1x64xi32, #tpu.memory_space<vmem>>
    %dma_wait3A_23 = tpu.memref_squeeze %dma_wait3A_22 : memref<1x64xi32, #tpu.memory_space<vmem>> -> memref<64xi32, #tpu.memory_space<vmem>>
    %dma_wait3A_24 = arith.constant 0 : i32
    %dma_wait3A_25 = arith.constant 0 : i32
    %dma_wait3A_26 = tpu.memref_slice %arg2[%dma_wait3A_24, %dma_wait3A_25] : memref<20000x96xf32, #tpu.memory_space<hbm>> -> memref<20000x96xf32, #tpu.memory_space<hbm>>
    tpu.wait_indirect_dma semaphore(%arg14 : memref<!tpu.dma_semaphore, #tpu.memory_space<semaphore_mem>>) src(%dma_wait3A_26 : memref<20000x96xf32, #tpu.memory_space<hbm>>) dst(%arg9 : memref<64x96xf32, #tpu.memory_space<vmem>>)
    %dma_start3A_27 = arith.constant 0 : i32
    %dma_start3A_28 = arith.constant 0 : i32
    %dma_start3A_29 = tpu.memref_slice %arg8[%dma_start3A_27, %dma_start3A_28] : memref<314x64xi32, #tpu.memory_space<vmem>> -> memref<1x64xi32, #tpu.memory_space<vmem>>
    %dma_start3A_30 = tpu.memref_squeeze %dma_start3A_29 : memref<1x64xi32, #tpu.memory_space<vmem>> -> memref<64xi32, #tpu.memory_space<vmem>>
    %dma_start3A_31 = arith.constant 0 : i32
    %dma_start3A_32 = arith.constant 0 : i32
    %dma_start3A_33 = tpu.memref_slice %arg13[%dma_start3A_31, %dma_start3A_32] : memref<10112x96xf32, #tpu.memory_space<vmem_shared>> -> memref<10112x96xf32, #tpu.memory_space<vmem_shared>>
    tpu.enqueue_indirect_dma source(%arg9 : memref<64x96xf32, #tpu.memory_space<vmem>>) target(%dma_start3A_33 : memref<10112x96xf32, #tpu.memory_space<vmem_shared>>) offsets(%dma_start3A_30 : memref<64xi32, #tpu.memory_space<vmem>>) semaphore(%arg18 : memref<!tpu.dma_semaphore, #tpu.memory_space<semaphore_mem>>) {add = true}
    %dma_start3A_34 = arith.constant 3 : i32
    %dma_start3A_35 = arith.constant 0 : i32
    %dma_start3A_36 = tpu.memref_slice %arg7[%dma_start3A_34, %dma_start3A_35] : memref<314x64xi32, #tpu.memory_space<vmem>> -> memref<1x64xi32, #tpu.memory_space<vmem>>
    %dma_start3A_37 = tpu.memref_squeeze %dma_start3A_36 : memref<1x64xi32, #tpu.memory_space<vmem>> -> memref<64xi32, #tpu.memory_space<vmem>>
    %dma_start3A_38 = arith.constant 0 : i32
    %dma_start3A_39 = arith.constant 0 : i32
    %dma_start3A_40 = tpu.memref_slice %arg2[%dma_start3A_38, %dma_start3A_39] : memref<20000x96xf32, #tpu.memory_space<hbm>> -> memref<20000x96xf32, #tpu.memory_space<hbm>>
    tpu.enqueue_indirect_dma source(%dma_start3A_40 : memref<20000x96xf32, #tpu.memory_space<hbm>>) target(%arg12 : memref<64x96xf32, #tpu.memory_space<vmem>>) offsets(%dma_start3A_37 : memref<64xi32, #tpu.memory_space<vmem>>) semaphore(%arg17 : memref<!tpu.dma_semaphore, #tpu.memory_space<semaphore_mem>>)
    %dma_wait3A_41 = arith.constant 1 : i32
    %dma_wait3A_42 = arith.constant 0 : i32
    %dma_wait3A_43 = tpu.memref_slice %arg7[%dma_wait3A_41, %dma_wait3A_42] : memref<314x64xi32, #tpu.memory_space<vmem>> -> memref<1x64xi32, #tpu.memory_space<vmem>>
    %dma_wait3A_44 = tpu.memref_squeeze %dma_wait3A_43 : memref<1x64xi32, #tpu.memory_space<vmem>> -> memref<64xi32, #tpu.memory_space<vmem>>
    %dma_wait3A_45 = arith.constant 0 : i32
    %dma_wait3A_46 = arith.constant 0 : i32
    %dma_wait3A_47 = tpu.memref_slice %arg2[%dma_wait3A_45, %dma_wait3A_46] : memref<20000x96xf32, #tpu.memory_space<hbm>> -> memref<20000x96xf32, #tpu.memory_space<hbm>>
    tpu.wait_indirect_dma semaphore(%arg15 : memref<!tpu.dma_semaphore, #tpu.memory_space<semaphore_mem>>) src(%dma_wait3A_47 : memref<20000x96xf32, #tpu.memory_space<hbm>>) dst(%arg10 : memref<64x96xf32, #tpu.memory_space<vmem>>)
    %dma_start3A_48 = arith.constant 1 : i32
    %dma_start3A_49 = arith.constant 0 : i32
    %dma_start3A_50 = tpu.memref_slice %arg8[%dma_start3A_48, %dma_start3A_49] : memref<314x64xi32, #tpu.memory_space<vmem>> -> memref<1x64xi32, #tpu.memory_space<vmem>>
    %dma_start3A_51 = tpu.memref_squeeze %dma_start3A_50 : memref<1x64xi32, #tpu.memory_space<vmem>> -> memref<64xi32, #tpu.memory_space<vmem>>
    %dma_start3A_52 = arith.constant 0 : i32
    %dma_start3A_53 = arith.constant 0 : i32
    %dma_start3A_54 = tpu.memref_slice %arg13[%dma_start3A_52, %dma_start3A_53] : memref<10112x96xf32, #tpu.memory_space<vmem_shared>> -> memref<10112x96xf32, #tpu.memory_space<vmem_shared>>
    tpu.enqueue_indirect_dma source(%arg10 : memref<64x96xf32, #tpu.memory_space<vmem>>) target(%dma_start3A_54 : memref<10112x96xf32, #tpu.memory_space<vmem_shared>>) offsets(%dma_start3A_51 : memref<64xi32, #tpu.memory_space<vmem>>) semaphore(%arg19 : memref<!tpu.dma_semaphore, #tpu.memory_space<semaphore_mem>>) {add = true}
    %dma_wait3A_55 = arith.constant 0 : i32
    %dma_wait3A_56 = arith.constant 0 : i32
    %dma_wait3A_57 = tpu.memref_slice %arg8[%dma_wait3A_55, %dma_wait3A_56] : memref<314x64xi32, #tpu.memory_space<vmem>> -> memref<1x64xi32, #tpu.memory_space<vmem>>
    %dma_wait3A_58 = tpu.memref_squeeze %dma_wait3A_57 : memref<1x64xi32, #tpu.memory_space<vmem>> -> memref<64xi32, #tpu.memory_space<vmem>>
    %dma_wait3A_59 = arith.constant 0 : i32
    %dma_wait3A_60 = arith.constant 0 : i32
    %dma_wait3A_61 = tpu.memref_slice %arg13[%dma_wait3A_59, %dma_wait3A_60] : memref<10112x96xf32, #tpu.memory_space<vmem_shared>> -> memref<10112x96xf32, #tpu.memory_space<vmem_shared>>
    tpu.wait_indirect_dma semaphore(%arg18 : memref<!tpu.dma_semaphore, #tpu.memory_space<semaphore_mem>>) src(%arg9 : memref<64x96xf32, #tpu.memory_space<vmem>>) dst(%dma_wait3A_61 : memref<10112x96xf32, #tpu.memory_space<vmem_shared>>)
    %dma_start3A_62 = arith.constant 4 : i32
    %dma_start3A_63 = arith.constant 0 : i32
    %dma_start3A_64 = tpu.memref_slice %arg7[%dma_start3A_62, %dma_start3A_63] : memref<314x64xi32, #tpu.memory_space<vmem>> -> memref<1x64xi32, #tpu.memory_space<vmem>>
    %dma_start3A_65 = tpu.memref_squeeze %dma_start3A_64 : memref<1x64xi32, #tpu.memory_space<vmem>> -> memref<64xi32, #tpu.memory_space<vmem>>
    %dma_start3A_66 = arith.constant 0 : i32
    %dma_start3A_67 = arith.constant 0 : i32
    %dma_start3A_68 = tpu.memref_slice %arg2[%dma_start3A_66, %dma_start3A_67] : memref<20000x96xf32, #tpu.memory_space<hbm>> -> memref<20000x96xf32, #tpu.memory_space<hbm>>
    tpu.enqueue_indirect_dma source(%dma_start3A_68 : memref<20000x96xf32, #tpu.memory_space<hbm>>) target(%arg9 : memref<64x96xf32, #tpu.memory_space<vmem>>) offsets(%dma_start3A_65 : memref<64xi32, #tpu.memory_space<vmem>>) semaphore(%arg14 : memref<!tpu.dma_semaphore, #tpu.memory_space<semaphore_mem>>)
    %dma_wait3A_69 = arith.constant 2 : i32
    %dma_wait3A_70 = arith.constant 0 : i32
    %dma_wait3A_71 = tpu.memref_slice %arg7[%dma_wait3A_69, %dma_wait3A_70] : memref<314x64xi32, #tpu.memory_space<vmem>> -> memref<1x64xi32, #tpu.memory_space<vmem>>
    %dma_wait3A_72 = tpu.memref_squeeze %dma_wait3A_71 : memref<1x64xi32, #tpu.memory_space<vmem>> -> memref<64xi32, #tpu.memory_space<vmem>>
    %dma_wait3A_73 = arith.constant 0 : i32
    %dma_wait3A_74 = arith.constant 0 : i32
    %dma_wait3A_75 = tpu.memref_slice %arg2[%dma_wait3A_73, %dma_wait3A_74] : memref<20000x96xf32, #tpu.memory_space<hbm>> -> memref<20000x96xf32, #tpu.memory_space<hbm>>
    tpu.wait_indirect_dma semaphore(%arg16 : memref<!tpu.dma_semaphore, #tpu.memory_space<semaphore_mem>>) src(%dma_wait3A_75 : memref<20000x96xf32, #tpu.memory_space<hbm>>) dst(%arg11 : memref<64x96xf32, #tpu.memory_space<vmem>>)
    %dma_start3A_76 = arith.constant 2 : i32
    %dma_start3A_77 = arith.constant 0 : i32
    %dma_start3A_78 = tpu.memref_slice %arg8[%dma_start3A_76, %dma_start3A_77] : memref<314x64xi32, #tpu.memory_space<vmem>> -> memref<1x64xi32, #tpu.memory_space<vmem>>
    %dma_start3A_79 = tpu.memref_squeeze %dma_start3A_78 : memref<1x64xi32, #tpu.memory_space<vmem>> -> memref<64xi32, #tpu.memory_space<vmem>>
    %dma_start3A_80 = arith.constant 0 : i32
    %dma_start3A_81 = arith.constant 0 : i32
    %dma_start3A_82 = tpu.memref_slice %arg13[%dma_start3A_80, %dma_start3A_81] : memref<10112x96xf32, #tpu.memory_space<vmem_shared>> -> memref<10112x96xf32, #tpu.memory_space<vmem_shared>>
    tpu.enqueue_indirect_dma source(%arg11 : memref<64x96xf32, #tpu.memory_space<vmem>>) target(%dma_start3A_82 : memref<10112x96xf32, #tpu.memory_space<vmem_shared>>) offsets(%dma_start3A_79 : memref<64xi32, #tpu.memory_space<vmem>>) semaphore(%arg20 : memref<!tpu.dma_semaphore, #tpu.memory_space<semaphore_mem>>) {add = true}
    %dma_wait3A_83 = arith.constant 1 : i32
    %dma_wait3A_84 = arith.constant 0 : i32
    %dma_wait3A_85 = tpu.memref_slice %arg8[%dma_wait3A_83, %dma_wait3A_84] : memref<314x64xi32, #tpu.memory_space<vmem>> -> memref<1x64xi32, #tpu.memory_space<vmem>>
    %dma_wait3A_86 = tpu.memref_squeeze %dma_wait3A_85 : memref<1x64xi32, #tpu.memory_space<vmem>> -> memref<64xi32, #tpu.memory_space<vmem>>
    %dma_wait3A_87 = arith.constant 0 : i32
    %dma_wait3A_88 = arith.constant 0 : i32
    %dma_wait3A_89 = tpu.memref_slice %arg13[%dma_wait3A_87, %dma_wait3A_88] : memref<10112x96xf32, #tpu.memory_space<vmem_shared>> -> memref<10112x96xf32, #tpu.memory_space<vmem_shared>>
    tpu.wait_indirect_dma semaphore(%arg19 : memref<!tpu.dma_semaphore, #tpu.memory_space<semaphore_mem>>) src(%arg10 : memref<64x96xf32, #tpu.memory_space<vmem>>) dst(%dma_wait3A_89 : memref<10112x96xf32, #tpu.memory_space<vmem_shared>>)
    %dma_start3A_90 = arith.constant 5 : i32
    %dma_start3A_91 = arith.constant 0 : i32
    %dma_start3A_92 = tpu.memref_slice %arg7[%dma_start3A_90, %dma_start3A_91] : memref<314x64xi32, #tpu.memory_space<vmem>> -> memref<1x64xi32, #tpu.memory_space<vmem>>
    %dma_start3A_93 = tpu.memref_squeeze %dma_start3A_92 : memref<1x64xi32, #tpu.memory_space<vmem>> -> memref<64xi32, #tpu.memory_space<vmem>>
    %dma_start3A_94 = arith.constant 0 : i32
    %dma_start3A_95 = arith.constant 0 : i32
    %dma_start3A_96 = tpu.memref_slice %arg2[%dma_start3A_94, %dma_start3A_95] : memref<20000x96xf32, #tpu.memory_space<hbm>> -> memref<20000x96xf32, #tpu.memory_space<hbm>>
    tpu.enqueue_indirect_dma source(%dma_start3A_96 : memref<20000x96xf32, #tpu.memory_space<hbm>>) target(%arg10 : memref<64x96xf32, #tpu.memory_space<vmem>>) offsets(%dma_start3A_93 : memref<64xi32, #tpu.memory_space<vmem>>) semaphore(%arg15 : memref<!tpu.dma_semaphore, #tpu.memory_space<semaphore_mem>>)
    %dma_wait3A_97 = arith.constant 3 : i32
    %dma_wait3A_98 = arith.constant 0 : i32
    %dma_wait3A_99 = tpu.memref_slice %arg7[%dma_wait3A_97, %dma_wait3A_98] : memref<314x64xi32, #tpu.memory_space<vmem>> -> memref<1x64xi32, #tpu.memory_space<vmem>>
    %dma_wait3A_100 = tpu.memref_squeeze %dma_wait3A_99 : memref<1x64xi32, #tpu.memory_space<vmem>> -> memref<64xi32, #tpu.memory_space<vmem>>
    %dma_wait3A_101 = arith.constant 0 : i32
    %dma_wait3A_102 = arith.constant 0 : i32
    %dma_wait3A_103 = tpu.memref_slice %arg2[%dma_wait3A_101, %dma_wait3A_102] : memref<20000x96xf32, #tpu.memory_space<hbm>> -> memref<20000x96xf32, #tpu.memory_space<hbm>>
    tpu.wait_indirect_dma semaphore(%arg17 : memref<!tpu.dma_semaphore, #tpu.memory_space<semaphore_mem>>) src(%dma_wait3A_103 : memref<20000x96xf32, #tpu.memory_space<hbm>>) dst(%arg12 : memref<64x96xf32, #tpu.memory_space<vmem>>)
    %dma_start3A_104 = arith.constant 3 : i32
    %dma_start3A_105 = arith.constant 0 : i32
    %dma_start3A_106 = tpu.memref_slice %arg8[%dma_start3A_104, %dma_start3A_105] : memref<314x64xi32, #tpu.memory_space<vmem>> -> memref<1x64xi32, #tpu.memory_space<vmem>>
    %dma_start3A_107 = tpu.memref_squeeze %dma_start3A_106 : memref<1x64xi32, #tpu.memory_space<vmem>> -> memref<64xi32, #tpu.memory_space<vmem>>
    %dma_start3A_108 = arith.constant 0 : i32
    %dma_start3A_109 = arith.constant 0 : i32
    %dma_start3A_110 = tpu.memref_slice %arg13[%dma_start3A_108, %dma_start3A_109] : memref<10112x96xf32, #tpu.memory_space<vmem_shared>> -> memref<10112x96xf32, #tpu.memory_space<vmem_shared>>
    tpu.enqueue_indirect_dma source(%arg12 : memref<64x96xf32, #tpu.memory_space<vmem>>) target(%dma_start3A_110 : memref<10112x96xf32, #tpu.memory_space<vmem_shared>>) offsets(%dma_start3A_107 : memref<64xi32, #tpu.memory_space<vmem>>) semaphore(%arg21 : memref<!tpu.dma_semaphore, #tpu.memory_space<semaphore_mem>>) {add = true}
    %scan3A = arith.constant 0 : i32
    %scan3A_111 = arith.constant 1 : i32
    %scan3A_112 = arith.constant 77 : i32
    %scan3A_113 = arith.addi %scan3A_111, %scan3A_112 : i32
    %scan3A_114 = arith.constant 1 : i32
    %scan3A_115 = scf.for %scan3A_176 = %scan3A_111 to %scan3A_113 step %scan3A_114 iter_args(%scan3A_177 = %scan3A) -> (i32)  : i32 {
      %mul3A_178 = arith.constant 4 : i32
      %mul3A_179 = arith.muli %mul3A_178, %scan3A_176 : i32
      %add3A = arith.constant 2 : i32
      %add3A_180 = arith.addi %add3A, %mul3A_179 : i32
      %add3A_181 = arith.constant 0 : i32
      %add3A_182 = arith.addi %add3A_180, %add3A_181 : i32
      %sub3A = arith.constant 4 : i32
      %sub3A_183 = arith.subi %add3A_182, %sub3A : i32
      %dma_wait3A_184 = arith.constant 0 : i32
      %dma_wait3A_185 = tpu.memref_slice %arg8[%sub3A_183, %dma_wait3A_184] : memref<314x64xi32, #tpu.memory_space<vmem>> -> memref<1x64xi32, #tpu.memory_space<vmem>>
      %dma_wait3A_186 = tpu.memref_squeeze %dma_wait3A_185 : memref<1x64xi32, #tpu.memory_space<vmem>> -> memref<64xi32, #tpu.memory_space<vmem>>
      %dma_wait3A_187 = arith.constant 0 : i32
      %dma_wait3A_188 = arith.constant 0 : i32
      %dma_wait3A_189 = tpu.memref_slice %arg13[%dma_wait3A_187, %dma_wait3A_188] : memref<10112x96xf32, #tpu.memory_space<vmem_shared>> -> memref<10112x96xf32, #tpu.memory_space<vmem_shared>>
      tpu.wait_indirect_dma semaphore(%arg20 : memref<!tpu.dma_semaphore, #tpu.memory_space<semaphore_mem>>) src(%arg11 : memref<64x96xf32, #tpu.memory_space<vmem>>) dst(%dma_wait3A_189 : memref<10112x96xf32, #tpu.memory_space<vmem_shared>>)
      %add3A_190 = arith.constant 0 : i32
      %add3A_191 = arith.addi %add3A_180, %add3A_190 : i32
      %dma_start3A_192 = arith.constant 0 : i32
      %dma_start3A_193 = tpu.memref_slice %arg7[%add3A_191, %dma_start3A_192] : memref<314x64xi32, #tpu.memory_space<vmem>> -> memref<1x64xi32, #tpu.memory_space<vmem>>
      %dma_start3A_194 = tpu.memref_squeeze %dma_start3A_193 : memref<1x64xi32, #tpu.memory_space<vmem>> -> memref<64xi32, #tpu.memory_space<vmem>>
      %dma_start3A_195 = arith.constant 0 : i32
      %dma_start3A_196 = arith.constant 0 : i32
      %dma_start3A_197 = tpu.memref_slice %arg2[%dma_start3A_195, %dma_start3A_196] : memref<20000x96xf32, #tpu.memory_space<hbm>> -> memref<20000x96xf32, #tpu.memory_space<hbm>>
      tpu.enqueue_indirect_dma source(%dma_start3A_197 : memref<20000x96xf32, #tpu.memory_space<hbm>>) target(%arg11 : memref<64x96xf32, #tpu.memory_space<vmem>>) offsets(%dma_start3A_194 : memref<64xi32, #tpu.memory_space<vmem>>) semaphore(%arg16 : memref<!tpu.dma_semaphore, #tpu.memory_space<semaphore_mem>>)
      %add3A_198 = arith.constant 0 : i32
      %add3A_199 = arith.addi %add3A_180, %add3A_198 : i32
      %sub3A_200 = arith.constant 2 : i32
      %sub3A_201 = arith.subi %add3A_199, %sub3A_200 : i32
      %dma_wait3A_202 = arith.constant 0 : i32
      %dma_wait3A_203 = tpu.memref_slice %arg7[%sub3A_201, %dma_wait3A_202] : memref<314x64xi32, #tpu.memory_space<vmem>> -> memref<1x64xi32, #tpu.memory_space<vmem>>
      %dma_wait3A_204 = tpu.memref_squeeze %dma_wait3A_203 : memref<1x64xi32, #tpu.memory_space<vmem>> -> memref<64xi32, #tpu.memory_space<vmem>>
      %dma_wait3A_205 = arith.constant 0 : i32
      %dma_wait3A_206 = arith.constant 0 : i32
      %dma_wait3A_207 = tpu.memref_slice %arg2[%dma_wait3A_205, %dma_wait3A_206] : memref<20000x96xf32, #tpu.memory_space<hbm>> -> memref<20000x96xf32, #tpu.memory_space<hbm>>
      tpu.wait_indirect_dma semaphore(%arg14 : memref<!tpu.dma_semaphore, #tpu.memory_space<semaphore_mem>>) src(%dma_wait3A_207 : memref<20000x96xf32, #tpu.memory_space<hbm>>) dst(%arg9 : memref<64x96xf32, #tpu.memory_space<vmem>>)
      %add3A_208 = arith.constant 0 : i32
      %add3A_209 = arith.addi %add3A_180, %add3A_208 : i32
      %sub3A_210 = arith.constant 2 : i32
      %sub3A_211 = arith.subi %add3A_209, %sub3A_210 : i32
      %dma_start3A_212 = arith.constant 0 : i32
      %dma_start3A_213 = tpu.memref_slice %arg8[%sub3A_211, %dma_start3A_212] : memref<314x64xi32, #tpu.memory_space<vmem>> -> memref<1x64xi32, #tpu.memory_space<vmem>>
      %dma_start3A_214 = tpu.memref_squeeze %dma_start3A_213 : memref<1x64xi32, #tpu.memory_space<vmem>> -> memref<64xi32, #tpu.memory_space<vmem>>
      %dma_start3A_215 = arith.constant 0 : i32
      %dma_start3A_216 = arith.constant 0 : i32
      %dma_start3A_217 = tpu.memref_slice %arg13[%dma_start3A_215, %dma_start3A_216] : memref<10112x96xf32, #tpu.memory_space<vmem_shared>> -> memref<10112x96xf32, #tpu.memory_space<vmem_shared>>
      tpu.enqueue_indirect_dma source(%arg9 : memref<64x96xf32, #tpu.memory_space<vmem>>) target(%dma_start3A_217 : memref<10112x96xf32, #tpu.memory_space<vmem_shared>>) offsets(%dma_start3A_214 : memref<64xi32, #tpu.memory_space<vmem>>) semaphore(%arg18 : memref<!tpu.dma_semaphore, #tpu.memory_space<semaphore_mem>>) {add = true}
      %add3A_218 = arith.constant 1 : i32
      %add3A_219 = arith.addi %add3A_180, %add3A_218 : i32
      %sub3A_220 = arith.constant 4 : i32
      %sub3A_221 = arith.subi %add3A_219, %sub3A_220 : i32
      %dma_wait3A_222 = arith.constant 0 : i32
      %dma_wait3A_223 = tpu.memref_slice %arg8[%sub3A_221, %dma_wait3A_222] : memref<314x64xi32, #tpu.memory_space<vmem>> -> memref<1x64xi32, #tpu.memory_space<vmem>>
      %dma_wait3A_224 = tpu.memref_squeeze %dma_wait3A_223 : memref<1x64xi32, #tpu.memory_space<vmem>> -> memref<64xi32, #tpu.memory_space<vmem>>
      %dma_wait3A_225 = arith.constant 0 : i32
      %dma_wait3A_226 = arith.constant 0 : i32
      %dma_wait3A_227 = tpu.memref_slice %arg13[%dma_wait3A_225, %dma_wait3A_226] : memref<10112x96xf32, #tpu.memory_space<vmem_shared>> -> memref<10112x96xf32, #tpu.memory_space<vmem_shared>>
      tpu.wait_indirect_dma semaphore(%arg21 : memref<!tpu.dma_semaphore, #tpu.memory_space<semaphore_mem>>) src(%arg12 : memref<64x96xf32, #tpu.memory_space<vmem>>) dst(%dma_wait3A_227 : memref<10112x96xf32, #tpu.memory_space<vmem_shared>>)
      %add3A_228 = arith.constant 1 : i32
      %add3A_229 = arith.addi %add3A_180, %add3A_228 : i32
      %dma_start3A_230 = arith.constant 0 : i32
      %dma_start3A_231 = tpu.memref_slice %arg7[%add3A_229, %dma_start3A_230] : memref<314x64xi32, #tpu.memory_space<vmem>> -> memref<1x64xi32, #tpu.memory_space<vmem>>
      %dma_start3A_232 = tpu.memref_squeeze %dma_start3A_231 : memref<1x64xi32, #tpu.memory_space<vmem>> -> memref<64xi32, #tpu.memory_space<vmem>>
      %dma_start3A_233 = arith.constant 0 : i32
      %dma_start3A_234 = arith.constant 0 : i32
      %dma_start3A_235 = tpu.memref_slice %arg2[%dma_start3A_233, %dma_start3A_234] : memref<20000x96xf32, #tpu.memory_space<hbm>> -> memref<20000x96xf32, #tpu.memory_space<hbm>>
      tpu.enqueue_indirect_dma source(%dma_start3A_235 : memref<20000x96xf32, #tpu.memory_space<hbm>>) target(%arg12 : memref<64x96xf32, #tpu.memory_space<vmem>>) offsets(%dma_start3A_232 : memref<64xi32, #tpu.memory_space<vmem>>) semaphore(%arg17 : memref<!tpu.dma_semaphore, #tpu.memory_space<semaphore_mem>>)
      %add3A_236 = arith.constant 1 : i32
      %add3A_237 = arith.addi %add3A_180, %add3A_236 : i32
      %sub3A_238 = arith.constant 2 : i32
      %sub3A_239 = arith.subi %add3A_237, %sub3A_238 : i32
      %dma_wait3A_240 = arith.constant 0 : i32
      %dma_wait3A_241 = tpu.memref_slice %arg7[%sub3A_239, %dma_wait3A_240] : memref<314x64xi32, #tpu.memory_space<vmem>> -> memref<1x64xi32, #tpu.memory_space<vmem>>
      %dma_wait3A_242 = tpu.memref_squeeze %dma_wait3A_241 : memref<1x64xi32, #tpu.memory_space<vmem>> -> memref<64xi32, #tpu.memory_space<vmem>>
      %dma_wait3A_243 = arith.constant 0 : i32
      %dma_wait3A_244 = arith.constant 0 : i32
      %dma_wait3A_245 = tpu.memref_slice %arg2[%dma_wait3A_243, %dma_wait3A_244] : memref<20000x96xf32, #tpu.memory_space<hbm>> -> memref<20000x96xf32, #tpu.memory_space<hbm>>
      tpu.wait_indirect_dma semaphore(%arg15 : memref<!tpu.dma_semaphore, #tpu.memory_space<semaphore_mem>>) src(%dma_wait3A_245 : memref<20000x96xf32, #tpu.memory_space<hbm>>) dst(%arg10 : memref<64x96xf32, #tpu.memory_space<vmem>>)
      %add3A_246 = arith.constant 1 : i32
      %add3A_247 = arith.addi %add3A_180, %add3A_246 : i32
      %sub3A_248 = arith.constant 2 : i32
      %sub3A_249 = arith.subi %add3A_247, %sub3A_248 : i32
      %dma_start3A_250 = arith.constant 0 : i32
      %dma_start3A_251 = tpu.memref_slice %arg8[%sub3A_249, %dma_start3A_250] : memref<314x64xi32, #tpu.memory_space<vmem>> -> memref<1x64xi32, #tpu.memory_space<vmem>>
      %dma_start3A_252 = tpu.memref_squeeze %dma_start3A_251 : memref<1x64xi32, #tpu.memory_space<vmem>> -> memref<64xi32, #tpu.memory_space<vmem>>
      %dma_start3A_253 = arith.constant 0 : i32
      %dma_start3A_254 = arith.constant 0 : i32
      %dma_start3A_255 = tpu.memref_slice %arg13[%dma_start3A_253, %dma_start3A_254] : memref<10112x96xf32, #tpu.memory_space<vmem_shared>> -> memref<10112x96xf32, #tpu.memory_space<vmem_shared>>
      tpu.enqueue_indirect_dma source(%arg10 : memref<64x96xf32, #tpu.memory_space<vmem>>) target(%dma_start3A_255 : memref<10112x96xf32, #tpu.memory_space<vmem_shared>>) offsets(%dma_start3A_252 : memref<64xi32, #tpu.memory_space<vmem>>) semaphore(%arg19 : memref<!tpu.dma_semaphore, #tpu.memory_space<semaphore_mem>>) {add = true}
      %add3A_256 = arith.constant 2 : i32
      %add3A_257 = arith.addi %add3A_180, %add3A_256 : i32
      %sub3A_258 = arith.constant 4 : i32
      %sub3A_259 = arith.subi %add3A_257, %sub3A_258 : i32
      %dma_wait3A_260 = arith.constant 0 : i32
      %dma_wait3A_261 = tpu.memref_slice %arg8[%sub3A_259, %dma_wait3A_260] : memref<314x64xi32, #tpu.memory_space<vmem>> -> memref<1x64xi32, #tpu.memory_space<vmem>>
      %dma_wait3A_262 = tpu.memref_squeeze %dma_wait3A_261 : memref<1x64xi32, #tpu.memory_space<vmem>> -> memref<64xi32, #tpu.memory_space<vmem>>
      %dma_wait3A_263 = arith.constant 0 : i32
      %dma_wait3A_264 = arith.constant 0 : i32
      %dma_wait3A_265 = tpu.memref_slice %arg13[%dma_wait3A_263, %dma_wait3A_264] : memref<10112x96xf32, #tpu.memory_space<vmem_shared>> -> memref<10112x96xf32, #tpu.memory_space<vmem_shared>>
      tpu.wait_indirect_dma semaphore(%arg18 : memref<!tpu.dma_semaphore, #tpu.memory_space<semaphore_mem>>) src(%arg9 : memref<64x96xf32, #tpu.memory_space<vmem>>) dst(%dma_wait3A_265 : memref<10112x96xf32, #tpu.memory_space<vmem_shared>>)
      %add3A_266 = arith.constant 2 : i32
      %add3A_267 = arith.addi %add3A_180, %add3A_266 : i32
      %dma_start3A_268 = arith.constant 0 : i32
      %dma_start3A_269 = tpu.memref_slice %arg7[%add3A_267, %dma_start3A_268] : memref<314x64xi32, #tpu.memory_space<vmem>> -> memref<1x64xi32, #tpu.memory_space<vmem>>
      %dma_start3A_270 = tpu.memref_squeeze %dma_start3A_269 : memref<1x64xi32, #tpu.memory_space<vmem>> -> memref<64xi32, #tpu.memory_space<vmem>>
      %dma_start3A_271 = arith.constant 0 : i32
      %dma_start3A_272 = arith.constant 0 : i32
      %dma_start3A_273 = tpu.memref_slice %arg2[%dma_start3A_271, %dma_start3A_272] : memref<20000x96xf32, #tpu.memory_space<hbm>> -> memref<20000x96xf32, #tpu.memory_space<hbm>>
      tpu.enqueue_indirect_dma source(%dma_start3A_273 : memref<20000x96xf32, #tpu.memory_space<hbm>>) target(%arg9 : memref<64x96xf32, #tpu.memory_space<vmem>>) offsets(%dma_start3A_270 : memref<64xi32, #tpu.memory_space<vmem>>) semaphore(%arg14 : memref<!tpu.dma_semaphore, #tpu.memory_space<semaphore_mem>>)
      %add3A_274 = arith.constant 2 : i32
      %add3A_275 = arith.addi %add3A_180, %add3A_274 : i32
      %sub3A_276 = arith.constant 2 : i32
      %sub3A_277 = arith.subi %add3A_275, %sub3A_276 : i32
      %dma_wait3A_278 = arith.constant 0 : i32
      %dma_wait3A_279 = tpu.memref_slice %arg7[%sub3A_277, %dma_wait3A_278] : memref<314x64xi32, #tpu.memory_space<vmem>> -> memref<1x64xi32, #tpu.memory_space<vmem>>
      %dma_wait3A_280 = tpu.memref_squeeze %dma_wait3A_279 : memref<1x64xi32, #tpu.memory_space<vmem>> -> memref<64xi32, #tpu.memory_space<vmem>>
      %dma_wait3A_281 = arith.constant 0 : i32
      %dma_wait3A_282 = arith.constant 0 : i32
      %dma_wait3A_283 = tpu.memref_slice %arg2[%dma_wait3A_281, %dma_wait3A_282] : memref<20000x96xf32, #tpu.memory_space<hbm>> -> memref<20000x96xf32, #tpu.memory_space<hbm>>
      tpu.wait_indirect_dma semaphore(%arg16 : memref<!tpu.dma_semaphore, #tpu.memory_space<semaphore_mem>>) src(%dma_wait3A_283 : memref<20000x96xf32, #tpu.memory_space<hbm>>) dst(%arg11 : memref<64x96xf32, #tpu.memory_space<vmem>>)
      %add3A_284 = arith.constant 2 : i32
      %add3A_285 = arith.addi %add3A_180, %add3A_284 : i32
      %sub3A_286 = arith.constant 2 : i32
      %sub3A_287 = arith.subi %add3A_285, %sub3A_286 : i32
      %dma_start3A_288 = arith.constant 0 : i32
      %dma_start3A_289 = tpu.memref_slice %arg8[%sub3A_287, %dma_start3A_288] : memref<314x64xi32, #tpu.memory_space<vmem>> -> memref<1x64xi32, #tpu.memory_space<vmem>>
      %dma_start3A_290 = tpu.memref_squeeze %dma_start3A_289 : memref<1x64xi32, #tpu.memory_space<vmem>> -> memref<64xi32, #tpu.memory_space<vmem>>
      %dma_start3A_291 = arith.constant 0 : i32
      %dma_start3A_292 = arith.constant 0 : i32
      %dma_start3A_293 = tpu.memref_slice %arg13[%dma_start3A_291, %dma_start3A_292] : memref<10112x96xf32, #tpu.memory_space<vmem_shared>> -> memref<10112x96xf32, #tpu.memory_space<vmem_shared>>
      tpu.enqueue_indirect_dma source(%arg11 : memref<64x96xf32, #tpu.memory_space<vmem>>) target(%dma_start3A_293 : memref<10112x96xf32, #tpu.memory_space<vmem_shared>>) offsets(%dma_start3A_290 : memref<64xi32, #tpu.memory_space<vmem>>) semaphore(%arg20 : memref<!tpu.dma_semaphore, #tpu.memory_space<semaphore_mem>>) {add = true}
      %add3A_294 = arith.constant 3 : i32
      %add3A_295 = arith.addi %add3A_180, %add3A_294 : i32
      %sub3A_296 = arith.constant 4 : i32
      %sub3A_297 = arith.subi %add3A_295, %sub3A_296 : i32
      %dma_wait3A_298 = arith.constant 0 : i32
      %dma_wait3A_299 = tpu.memref_slice %arg8[%sub3A_297, %dma_wait3A_298] : memref<314x64xi32, #tpu.memory_space<vmem>> -> memref<1x64xi32, #tpu.memory_space<vmem>>
      %dma_wait3A_300 = tpu.memref_squeeze %dma_wait3A_299 : memref<1x64xi32, #tpu.memory_space<vmem>> -> memref<64xi32, #tpu.memory_space<vmem>>
      %dma_wait3A_301 = arith.constant 0 : i32
      %dma_wait3A_302 = arith.constant 0 : i32
      %dma_wait3A_303 = tpu.memref_slice %arg13[%dma_wait3A_301, %dma_wait3A_302] : memref<10112x96xf32, #tpu.memory_space<vmem_shared>> -> memref<10112x96xf32, #tpu.memory_space<vmem_shared>>
      tpu.wait_indirect_dma semaphore(%arg19 : memref<!tpu.dma_semaphore, #tpu.memory_space<semaphore_mem>>) src(%arg10 : memref<64x96xf32, #tpu.memory_space<vmem>>) dst(%dma_wait3A_303 : memref<10112x96xf32, #tpu.memory_space<vmem_shared>>)
      %add3A_304 = arith.constant 3 : i32
      %add3A_305 = arith.addi %add3A_180, %add3A_304 : i32
      %dma_start3A_306 = arith.constant 0 : i32
      %dma_start3A_307 = tpu.memref_slice %arg7[%add3A_305, %dma_start3A_306] : memref<314x64xi32, #tpu.memory_space<vmem>> -> memref<1x64xi32, #tpu.memory_space<vmem>>
      %dma_start3A_308 = tpu.memref_squeeze %dma_start3A_307 : memref<1x64xi32, #tpu.memory_space<vmem>> -> memref<64xi32, #tpu.memory_space<vmem>>
      %dma_start3A_309 = arith.constant 0 : i32
      %dma_start3A_310 = arith.constant 0 : i32
      %dma_start3A_311 = tpu.memref_slice %arg2[%dma_start3A_309, %dma_start3A_310] : memref<20000x96xf32, #tpu.memory_space<hbm>> -> memref<20000x96xf32, #tpu.memory_space<hbm>>
      tpu.enqueue_indirect_dma source(%dma_start3A_311 : memref<20000x96xf32, #tpu.memory_space<hbm>>) target(%arg10 : memref<64x96xf32, #tpu.memory_space<vmem>>) offsets(%dma_start3A_308 : memref<64xi32, #tpu.memory_space<vmem>>) semaphore(%arg15 : memref<!tpu.dma_semaphore, #tpu.memory_space<semaphore_mem>>)
      %add3A_312 = arith.constant 3 : i32
      %add3A_313 = arith.addi %add3A_180, %add3A_312 : i32
      %sub3A_314 = arith.constant 2 : i32
      %sub3A_315 = arith.subi %add3A_313, %sub3A_314 : i32
      %dma_wait3A_316 = arith.constant 0 : i32
      %dma_wait3A_317 = tpu.memref_slice %arg7[%sub3A_315, %dma_wait3A_316] : memref<314x64xi32, #tpu.memory_space<vmem>> -> memref<1x64xi32, #tpu.memory_space<vmem>>
      %dma_wait3A_318 = tpu.memref_squeeze %dma_wait3A_317 : memref<1x64xi32, #tpu.memory_space<vmem>> -> memref<64xi32, #tpu.memory_space<vmem>>
      %dma_wait3A_319 = arith.constant 0 : i32
      %dma_wait3A_320 = arith.constant 0 : i32
      %dma_wait3A_321 = tpu.memref_slice %arg2[%dma_wait3A_319, %dma_wait3A_320] : memref<20000x96xf32, #tpu.memory_space<hbm>> -> memref<20000x96xf32, #tpu.memory_space<hbm>>
      tpu.wait_indirect_dma semaphore(%arg17 : memref<!tpu.dma_semaphore, #tpu.memory_space<semaphore_mem>>) src(%dma_wait3A_321 : memref<20000x96xf32, #tpu.memory_space<hbm>>) dst(%arg12 : memref<64x96xf32, #tpu.memory_space<vmem>>)
      %add3A_322 = arith.constant 3 : i32
      %add3A_323 = arith.addi %add3A_180, %add3A_322 : i32
      %sub3A_324 = arith.constant 2 : i32
      %sub3A_325 = arith.subi %add3A_323, %sub3A_324 : i32
      %dma_start3A_326 = arith.constant 0 : i32
      %dma_start3A_327 = tpu.memref_slice %arg8[%sub3A_325, %dma_start3A_326] : memref<314x64xi32, #tpu.memory_space<vmem>> -> memref<1x64xi32, #tpu.memory_space<vmem>>
      %dma_start3A_328 = tpu.memref_squeeze %dma_start3A_327 : memref<1x64xi32, #tpu.memory_space<vmem>> -> memref<64xi32, #tpu.memory_space<vmem>>
      %dma_start3A_329 = arith.constant 0 : i32
      %dma_start3A_330 = arith.constant 0 : i32
      %dma_start3A_331 = tpu.memref_slice %arg13[%dma_start3A_329, %dma_start3A_330] : memref<10112x96xf32, #tpu.memory_space<vmem_shared>> -> memref<10112x96xf32, #tpu.memory_space<vmem_shared>>
      tpu.enqueue_indirect_dma source(%arg12 : memref<64x96xf32, #tpu.memory_space<vmem>>) target(%dma_start3A_331 : memref<10112x96xf32, #tpu.memory_space<vmem_shared>>) offsets(%dma_start3A_328 : memref<64xi32, #tpu.memory_space<vmem>>) semaphore(%arg21 : memref<!tpu.dma_semaphore, #tpu.memory_space<semaphore_mem>>) {add = true}
      %scan3A_332 = arith.constant 0 : i32
      scf.yield %scan3A_332 : i32
    }
    %scan3A_116 = arith.constant 77 : i32
    %dma_wait3A_117 = arith.constant 312 : i32
    %dma_wait3A_118 = arith.constant 0 : i32
    %dma_wait3A_119 = tpu.memref_slice %arg7[%dma_wait3A_117, %dma_wait3A_118] : memref<314x64xi32, #tpu.memory_space<vmem>> -> memref<1x64xi32, #tpu.memory_space<vmem>>
    %dma_wait3A_120 = tpu.memref_squeeze %dma_wait3A_119 : memref<1x64xi32, #tpu.memory_space<vmem>> -> memref<64xi32, #tpu.memory_space<vmem>>
    %dma_wait3A_121 = arith.constant 0 : i32
    %dma_wait3A_122 = arith.constant 0 : i32
    %dma_wait3A_123 = tpu.memref_slice %arg2[%dma_wait3A_121, %dma_wait3A_122] : memref<20000x96xf32, #tpu.memory_space<hbm>> -> memref<20000x96xf32, #tpu.memory_space<hbm>>
    tpu.wait_indirect_dma semaphore(%arg14 : memref<!tpu.dma_semaphore, #tpu.memory_space<semaphore_mem>>) src(%dma_wait3A_123 : memref<20000x96xf32, #tpu.memory_space<hbm>>) dst(%arg9 : memref<64x96xf32, #tpu.memory_space<vmem>>)
    %dma_start3A_124 = arith.constant 312 : i32
    %dma_start3A_125 = arith.constant 0 : i32
    %dma_start3A_126 = tpu.memref_slice %arg8[%dma_start3A_124, %dma_start3A_125] : memref<314x64xi32, #tpu.memory_space<vmem>> -> memref<1x64xi32, #tpu.memory_space<vmem>>
    %dma_start3A_127 = tpu.memref_squeeze %dma_start3A_126 : memref<1x64xi32, #tpu.memory_space<vmem>> -> memref<64xi32, #tpu.memory_space<vmem>>
    %dma_start3A_128 = arith.constant 0 : i32
    %dma_start3A_129 = arith.constant 0 : i32
    %dma_start3A_130 = tpu.memref_slice %arg13[%dma_start3A_128, %dma_start3A_129] : memref<10112x96xf32, #tpu.memory_space<vmem_shared>> -> memref<10112x96xf32, #tpu.memory_space<vmem_shared>>
    tpu.enqueue_indirect_dma source(%arg9 : memref<64x96xf32, #tpu.memory_space<vmem>>) target(%dma_start3A_130 : memref<10112x96xf32, #tpu.memory_space<vmem_shared>>) offsets(%dma_start3A_127 : memref<64xi32, #tpu.memory_space<vmem>>) semaphore(%arg18 : memref<!tpu.dma_semaphore, #tpu.memory_space<semaphore_mem>>) {add = true}
    %dma_wait3A_131 = arith.constant 313 : i32
    %dma_wait3A_132 = arith.constant 0 : i32
    %dma_wait3A_133 = tpu.memref_slice %arg7[%dma_wait3A_131, %dma_wait3A_132] : memref<314x64xi32, #tpu.memory_space<vmem>> -> memref<1x64xi32, #tpu.memory_space<vmem>>
    %dma_wait3A_134 = tpu.memref_squeeze %dma_wait3A_133 : memref<1x64xi32, #tpu.memory_space<vmem>> -> memref<64xi32, #tpu.memory_space<vmem>>
    %dma_wait3A_135 = arith.constant 0 : i32
    %dma_wait3A_136 = arith.constant 0 : i32
    %dma_wait3A_137 = tpu.memref_slice %arg2[%dma_wait3A_135, %dma_wait3A_136] : memref<20000x96xf32, #tpu.memory_space<hbm>> -> memref<20000x96xf32, #tpu.memory_space<hbm>>
    tpu.wait_indirect_dma semaphore(%arg15 : memref<!tpu.dma_semaphore, #tpu.memory_space<semaphore_mem>>) src(%dma_wait3A_137 : memref<20000x96xf32, #tpu.memory_space<hbm>>) dst(%arg10 : memref<64x96xf32, #tpu.memory_space<vmem>>)
    %dma_start3A_138 = arith.constant 313 : i32
    %dma_start3A_139 = arith.constant 0 : i32
    %dma_start3A_140 = tpu.memref_slice %arg8[%dma_start3A_138, %dma_start3A_139] : memref<314x64xi32, #tpu.memory_space<vmem>> -> memref<1x64xi32, #tpu.memory_space<vmem>>
    %dma_start3A_141 = tpu.memref_squeeze %dma_start3A_140 : memref<1x64xi32, #tpu.memory_space<vmem>> -> memref<64xi32, #tpu.memory_space<vmem>>
    %dma_start3A_142 = arith.constant 0 : i32
    %dma_start3A_143 = arith.constant 0 : i32
    %dma_start3A_144 = tpu.memref_slice %arg13[%dma_start3A_142, %dma_start3A_143] : memref<10112x96xf32, #tpu.memory_space<vmem_shared>> -> memref<10112x96xf32, #tpu.memory_space<vmem_shared>>
    tpu.enqueue_indirect_dma source(%arg10 : memref<64x96xf32, #tpu.memory_space<vmem>>) target(%dma_start3A_144 : memref<10112x96xf32, #tpu.memory_space<vmem_shared>>) offsets(%dma_start3A_141 : memref<64xi32, #tpu.memory_space<vmem>>) semaphore(%arg19 : memref<!tpu.dma_semaphore, #tpu.memory_space<semaphore_mem>>) {add = true}
    %dma_wait3A_145 = arith.constant 310 : i32
    %dma_wait3A_146 = arith.constant 0 : i32
    %dma_wait3A_147 = tpu.memref_slice %arg8[%dma_wait3A_145, %dma_wait3A_146] : memref<314x64xi32, #tpu.memory_space<vmem>> -> memref<1x64xi32, #tpu.memory_space<vmem>>
    %dma_wait3A_148 = tpu.memref_squeeze %dma_wait3A_147 : memref<1x64xi32, #tpu.memory_space<vmem>> -> memref<64xi32, #tpu.memory_space<vmem>>
    %dma_wait3A_149 = arith.constant 0 : i32
    %dma_wait3A_150 = arith.constant 0 : i32
    %dma_wait3A_151 = tpu.memref_slice %arg13[%dma_wait3A_149, %dma_wait3A_150] : memref<10112x96xf32, #tpu.memory_space<vmem_shared>> -> memref<10112x96xf32, #tpu.memory_space<vmem_shared>>
    tpu.wait_indirect_dma semaphore(%arg20 : memref<!tpu.dma_semaphore, #tpu.memory_space<semaphore_mem>>) src(%arg11 : memref<64x96xf32, #tpu.memory_space<vmem>>) dst(%dma_wait3A_151 : memref<10112x96xf32, #tpu.memory_space<vmem_shared>>)
    %dma_wait3A_152 = arith.constant 311 : i32
    %dma_wait3A_153 = arith.constant 0 : i32
    %dma_wait3A_154 = tpu.memref_slice %arg8[%dma_wait3A_152, %dma_wait3A_153] : memref<314x64xi32, #tpu.memory_space<vmem>> -> memref<1x64xi32, #tpu.memory_space<vmem>>
    %dma_wait3A_155 = tpu.memref_squeeze %dma_wait3A_154 : memref<1x64xi32, #tpu.memory_space<vmem>> -> memref<64xi32, #tpu.memory_space<vmem>>
    %dma_wait3A_156 = arith.constant 0 : i32
    %dma_wait3A_157 = arith.constant 0 : i32
    %dma_wait3A_158 = tpu.memref_slice %arg13[%dma_wait3A_156, %dma_wait3A_157] : memref<10112x96xf32, #tpu.memory_space<vmem_shared>> -> memref<10112x96xf32, #tpu.memory_space<vmem_shared>>
    tpu.wait_indirect_dma semaphore(%arg21 : memref<!tpu.dma_semaphore, #tpu.memory_space<semaphore_mem>>) src(%arg12 : memref<64x96xf32, #tpu.memory_space<vmem>>) dst(%dma_wait3A_158 : memref<10112x96xf32, #tpu.memory_space<vmem_shared>>)
    %dma_wait3A_159 = arith.constant 312 : i32
    %dma_wait3A_160 = arith.constant 0 : i32
    %dma_wait3A_161 = tpu.memref_slice %arg8[%dma_wait3A_159, %dma_wait3A_160] : memref<314x64xi32, #tpu.memory_space<vmem>> -> memref<1x64xi32, #tpu.memory_space<vmem>>
    %dma_wait3A_162 = tpu.memref_squeeze %dma_wait3A_161 : memref<1x64xi32, #tpu.memory_space<vmem>> -> memref<64xi32, #tpu.memory_space<vmem>>
    %dma_wait3A_163 = arith.constant 0 : i32
    %dma_wait3A_164 = arith.constant 0 : i32
    %dma_wait3A_165 = tpu.memref_slice %arg13[%dma_wait3A_163, %dma_wait3A_164] : memref<10112x96xf32, #tpu.memory_space<vmem_shared>> -> memref<10112x96xf32, #tpu.memory_space<vmem_shared>>
    tpu.wait_indirect_dma semaphore(%arg18 : memref<!tpu.dma_semaphore, #tpu.memory_space<semaphore_mem>>) src(%arg9 : memref<64x96xf32, #tpu.memory_space<vmem>>) dst(%dma_wait3A_165 : memref<10112x96xf32, #tpu.memory_space<vmem_shared>>)
    %dma_wait3A_166 = arith.constant 313 : i32
    %dma_wait3A_167 = arith.constant 0 : i32
    %dma_wait3A_168 = tpu.memref_slice %arg8[%dma_wait3A_166, %dma_wait3A_167] : memref<314x64xi32, #tpu.memory_space<vmem>> -> memref<1x64xi32, #tpu.memory_space<vmem>>
    %dma_wait3A_169 = tpu.memref_squeeze %dma_wait3A_168 : memref<1x64xi32, #tpu.memory_space<vmem>> -> memref<64xi32, #tpu.memory_space<vmem>>
    %dma_wait3A_170 = arith.constant 0 : i32
    %dma_wait3A_171 = arith.constant 0 : i32
    %dma_wait3A_172 = tpu.memref_slice %arg13[%dma_wait3A_170, %dma_wait3A_171] : memref<10112x96xf32, #tpu.memory_space<vmem_shared>> -> memref<10112x96xf32, #tpu.memory_space<vmem_shared>>
    tpu.wait_indirect_dma semaphore(%arg19 : memref<!tpu.dma_semaphore, #tpu.memory_space<semaphore_mem>>) src(%arg10 : memref<64x96xf32, #tpu.memory_space<vmem>>) dst(%dma_wait3A_172 : memref<10112x96xf32, #tpu.memory_space<vmem_shared>>)
    %barrier3A_173 = arith.constant 0 : index
    tpu.barrier barrier_id(%barrier3A_173)
    %mul3A_174 = arith.constant 632 : i32
    %mul3A_175 = arith.muli %arg1, %mul3A_174 : i32
    "tpu.region"() ({
      %run_scoped3A = tpu.sem_alloc : memref<!tpu.dma_semaphore, #tpu.memory_space<semaphore_mem>>
      %dma_start3A_176 = arith.constant 0 : i32
      %dma_start3A_177 = arith.constant 0 : i32
      %dma_start3A_178 = tpu.memref_slice %arg6[%arg0, %dma_start3A_176, %dma_start3A_177] : memref<2x10112x96xf32, #tpu.memory_space<hbm>> -> memref<1x10112x96xf32, #tpu.memory_space<hbm>>
      %dma_start3A_179 = tpu.memref_squeeze %dma_start3A_178 : memref<1x10112x96xf32, #tpu.memory_space<hbm>> -> memref<10112x96xf32, #tpu.memory_space<hbm>>
      %dma_start3A_180 = arith.constant 0 : i32
      %dma_start3A_181 = tpu.memref_slice %dma_start3A_179[%mul3A_175, %dma_start3A_180] : memref<10112x96xf32, #tpu.memory_space<hbm>> -> memref<632x96xf32, #tpu.memory_space<hbm>>
      %dma_start3A_182 = arith.constant 0 : i32
      %dma_start3A_183 = tpu.memref_slice %arg13[%mul3A_175, %dma_start3A_182] : memref<10112x96xf32, #tpu.memory_space<vmem_shared>> -> memref<632x96xf32, #tpu.memory_space<vmem_shared>>
      tpu.enqueue_dma source(%dma_start3A_183 : memref<632x96xf32, #tpu.memory_space<vmem_shared>>) target(%dma_start3A_181 : memref<632x96xf32, #tpu.memory_space<hbm>>) target_semaphore(%run_scoped3A : memref<!tpu.dma_semaphore, #tpu.memory_space<semaphore_mem>>)
      %dma_wait3A_184 = arith.constant 0 : i32
      %dma_wait3A_185 = arith.constant 0 : i32
      %dma_wait3A_186 = tpu.memref_slice %arg6[%arg0, %dma_wait3A_184, %dma_wait3A_185] : memref<2x10112x96xf32, #tpu.memory_space<hbm>> -> memref<1x10112x96xf32, #tpu.memory_space<hbm>>
      %dma_wait3A_187 = tpu.memref_squeeze %dma_wait3A_186 : memref<1x10112x96xf32, #tpu.memory_space<hbm>> -> memref<10112x96xf32, #tpu.memory_space<hbm>>
      %dma_wait3A_188 = arith.constant 0 : i32
      %dma_wait3A_189 = tpu.memref_slice %dma_wait3A_187[%mul3A_175, %dma_wait3A_188] : memref<10112x96xf32, #tpu.memory_space<hbm>> -> memref<632x96xf32, #tpu.memory_space<hbm>>
      %dma_wait3A_190 = arith.constant 0 : i32
      %dma_wait3A_191 = tpu.memref_slice %arg13[%mul3A_175, %dma_wait3A_190] : memref<10112x96xf32, #tpu.memory_space<vmem_shared>> -> memref<632x96xf32, #tpu.memory_space<vmem_shared>>
      tpu.wait_dma2 semaphore(%run_scoped3A : memref<!tpu.dma_semaphore, #tpu.memory_space<semaphore_mem>>) src(%dma_wait3A_191 : memref<632x96xf32, #tpu.memory_space<vmem_shared>>) dst(%dma_wait3A_189 : memref<632x96xf32, #tpu.memory_space<hbm>>)
      tpu.yield
    }) : () -> ()
    return
  }
}

module attributes {stable_mosaic.version = 14 : i64} {
  func.func @_prep_body(%arg0: i32, %arg1: memref<2000x64xf32, #tpu.memory_space<vmem>>, %arg2: memref<2000x128xf32, #tpu.memory_space<vmem>>, %arg3: memref<2x2000x96xf32, #tpu.memory_space<vmem>>) attributes {dimension_semantics = [#tpu.dimension_semantics<arbitrary>], iteration_bounds = array<i64: 5>, scalar_prefetch = 0 : i64, scratch_operands = 0 : i64, tpu.core_type = #tpu.core_type<tc>, window_params = [{transform_indices = @transform_0, window_bounds = array<i64: 2000, 64>}, {transform_indices = @transform_1, window_bounds = array<i64: 2000, 128>}, {transform_indices = @transform_2, window_bounds = array<i64: 2, 2000, 96>}]} {
    %get3A = arith.constant 0 : index
    %get3A_0 = arith.constant 0 : index
    %get3A_1 = vector.load %arg1[%get3A, %get3A_0] : memref<2000x64xf32, #tpu.memory_space<vmem>>, vector<2000x64xf32>
    %reduce_max3A = arith.constant dense<0xFF800000> : vector<2000xf32>
    %reduce_max3A_2 = vector.multi_reduction <maximumf>, %get3A_1, %reduce_max3A [1] : vector<2000x64xf32> to vector<2000xf32>
    %max3A = arith.constant 0xFF800000 : f32
    %max3A_3 = vector.broadcast %max3A : f32 to vector<2000xf32>
    %max3A_4 = arith.maximumf %max3A_3, %reduce_max3A_2 : vector<2000xf32>
    %broadcast_in_dim3A = vector.shape_cast %max3A_4 : vector<2000xf32> to vector<2000x1xf32>
    %sub3A = vector.broadcast %broadcast_in_dim3A : vector<2000x1xf32> to vector<2000x64xf32>
    %sub3A_5 = arith.subf %get3A_1, %sub3A : vector<2000x64xf32>
    %exp3A = math.exp %sub3A_5 : vector<2000x64xf32>
    %reduce_sum3A = arith.constant dense<0.000000e+00> : vector<2000xf32>
    %reduce_sum3A_6 = vector.multi_reduction <add>, %exp3A, %reduce_sum3A [1] : vector<2000x64xf32> to vector<2000xf32>
    %broadcast_in_dim3A_7 = vector.shape_cast %reduce_sum3A_6 : vector<2000xf32> to vector<2000x1xf32>
    %div3A = vector.broadcast %broadcast_in_dim3A_7 : vector<2000x1xf32> to vector<2000x64xf32>
    %div3A_8 = arith.divf %exp3A, %div3A : vector<2000x64xf32>
    %swap3A = arith.constant 0 : index
    %swap3A_9 = arith.constant 0 : index
    %swap3A_10 = arith.constant 0 : index
    %swap3A_11 = vector.load %arg3[%swap3A, %swap3A_9, %swap3A_10] : memref<2x2000x96xf32, #tpu.memory_space<vmem>>, vector<1x2000x64xf32>
    %swap3A_12 = vector.shape_cast %swap3A_11 : vector<1x2000x64xf32> to vector<2000x64xf32>
    %swap3A_13 = vector.shape_cast %div3A_8 : vector<2000x64xf32> to vector<1x2000x64xf32>
    tpu.vector_store %arg3[%swap3A, %swap3A_9, %swap3A_10], %swap3A_13 {strides = array<i32>} : memref<2x2000x96xf32, #tpu.memory_space<vmem>>, vector<1x2000x64xf32>,
    %get3A_14 = arith.constant 0 : index
    %get3A_15 = arith.constant 0 : index
    %get3A_16 = vector.load %arg2[%get3A_14, %get3A_15] : memref<2000x128xf32, #tpu.memory_space<vmem>>, vector<2000x32xf32>
    %swap3A_17 = arith.constant 0 : index
    %swap3A_18 = arith.constant 0 : index
    %swap3A_19 = arith.constant 64 : index
    %swap3A_20 = vector.load %arg3[%swap3A_17, %swap3A_18, %swap3A_19] : memref<2x2000x96xf32, #tpu.memory_space<vmem>>, vector<1x2000x32xf32>
    %swap3A_21 = vector.shape_cast %swap3A_20 : vector<1x2000x32xf32> to vector<2000x32xf32>
    %swap3A_22 = vector.shape_cast %get3A_16 : vector<2000x32xf32> to vector<1x2000x32xf32>
    tpu.vector_store %arg3[%swap3A_17, %swap3A_18, %swap3A_19], %swap3A_22 {strides = array<i32>} : memref<2x2000x96xf32, #tpu.memory_space<vmem>>, vector<1x2000x32xf32>,
    %get3A_23 = arith.constant 0 : index
    %get3A_24 = arith.constant 32 : index
    %get3A_25 = vector.load %arg2[%get3A_23, %get3A_24] : memref<2000x128xf32, #tpu.memory_space<vmem>>, vector<2000x96xf32>
    %swap3A_26 = arith.constant 1 : index
    %swap3A_27 = arith.constant 0 : index
    %swap3A_28 = arith.constant 0 : index
    %swap3A_29 = vector.load %arg3[%swap3A_26, %swap3A_27, %swap3A_28] : memref<2x2000x96xf32, #tpu.memory_space<vmem>>, vector<1x2000x96xf32>
    %swap3A_30 = vector.shape_cast %swap3A_29 : vector<1x2000x96xf32> to vector<2000x96xf32>
    %swap3A_31 = vector.shape_cast %get3A_25 : vector<2000x96xf32> to vector<1x2000x96xf32>
    tpu.vector_store %arg3[%swap3A_26, %swap3A_27, %swap3A_28], %swap3A_31 {strides = array<i32>} : memref<2x2000x96xf32, #tpu.memory_space<vmem>>, vector<1x2000x96xf32>,
    return
  }
  func.func @transform_0(%arg0: i32) -> (i32, i32) {
    %c0_i32 = arith.constant 0 : i32
    %c0_i32_0 = arith.constant 0 : i32
    return %arg0, %c0_i32 : i32, i32
  }
  func.func @transform_1(%arg0: i32) -> (i32, i32) {
    %c0_i32 = arith.constant 0 : i32
    %c0_i32_0 = arith.constant 0 : i32
    return %arg0, %c0_i32 : i32, i32
  }
  func.func @transform_2(%arg0: i32) -> (i32, i32, i32) {
    %c0_i32 = arith.constant 0 : i32
    %c0_i32_0 = arith.constant 0 : i32
    %c0_i32_1 = arith.constant 0 : i32
    return %c0_i32, %arg0, %c0_i32_0 : i32, i32, i32
  }
}

module attributes {stable_mosaic.version = 14 : i64} {
  func.func @_stats_body(%arg0: i32, %arg1: memref<2000x96xf32, #tpu.memory_space<vmem>>, %arg2: memref<2x2000x96xf32, #tpu.memory_space<vmem>>, %arg3: memref<2000x1xf32, #tpu.memory_space<vmem>>, %arg4: memref<2000x1xf32, #tpu.memory_space<vmem>>, %arg5: memref<2000x1xf32, #tpu.memory_space<vmem>>, %arg6: memref<1x1x8xf32, #tpu.memory_space<vmem>>) attributes {dimension_semantics = [#tpu.dimension_semantics<arbitrary>], iteration_bounds = array<i64: 5>, scalar_prefetch = 0 : i64, scratch_operands = 0 : i64, tpu.core_type = #tpu.core_type<tc>, window_params = [{transform_indices = @transform_0, window_bounds = array<i64: 2000, 96>}, {transform_indices = @transform_1, window_bounds = array<i64: 2, 2000, 96>}, {transform_indices = @transform_2, window_bounds = array<i64: 2000, 1>}, {transform_indices = @transform_3, window_bounds = array<i64: 2000, 1>}, {transform_indices = @transform_4, window_bounds = array<i64: 2000, 1>}, {transform_indices = @transform_5, window_bounds = array<i64: 1, 1, 8>}]} {
    %get3A = arith.constant 0 : index
    %get3A_0 = arith.constant 0 : index
    %get3A_1 = vector.load %arg1[%get3A, %get3A_0] : memref<2000x96xf32, #tpu.memory_space<vmem>>, vector<2000x64xf32>
    %get3A_2 = arith.constant 0 : index
    %get3A_3 = arith.constant 0 : index
    %get3A_4 = vector.load %arg3[%get3A_2, %get3A_3] : memref<2000x1xf32, #tpu.memory_space<vmem>>, vector<2000x1xf32>
    %get3A_5 = arith.constant 0 : index
    %get3A_6 = arith.constant 0 : index
    %get3A_7 = arith.constant 0 : index
    %get3A_8 = vector.load %arg2[%get3A_5, %get3A_6, %get3A_7] : memref<2x2000x96xf32, #tpu.memory_space<vmem>>, vector<1x2000x64xf32>
    %get3A_9 = vector.shape_cast %get3A_8 : vector<1x2000x64xf32> to vector<2000x64xf32>
    %mul3A = vector.broadcast %get3A_4 : vector<2000x1xf32> to vector<2000x64xf32>
    %mul3A_10 = arith.mulf %get3A_9, %mul3A : vector<2000x64xf32>
    %add3A = arith.constant 9.99999996E-13 : f32
    %add3A_11 = vector.broadcast %add3A : f32 to vector<2000x64xf32>
    %add3A_12 = arith.addf %mul3A_10, %add3A_11 : vector<2000x64xf32>
    %log3A = math.log %add3A_12 : vector<2000x64xf32>
    %mul3A_13 = arith.mulf %mul3A_10, %log3A : vector<2000x64xf32>
    %reduce_sum3A = arith.constant dense<0.000000e+00> : vector<2000xf32>
    %reduce_sum3A_14 = vector.multi_reduction <add>, %mul3A_13, %reduce_sum3A [1] : vector<2000x64xf32> to vector<2000xf32>
    %broadcast_in_dim3A = vector.shape_cast %reduce_sum3A_14 : vector<2000xf32> to vector<2000x1xf32>
    %neg3A = arith.constant 0.000000e+00 : f32
    %neg3A_15 = vector.broadcast %neg3A : f32 to vector<2000x1xf32>
    %neg3A_16 = arith.subf %neg3A_15, %broadcast_in_dim3A : vector<2000x1xf32>
    %add3A_17 = arith.constant 9.99999996E-13 : f32
    %add3A_18 = vector.broadcast %add3A_17 : f32 to vector<2000x64xf32>
    %add3A_19 = arith.addf %get3A_1, %add3A_18 : vector<2000x64xf32>
    %log3A_20 = math.log %add3A_19 : vector<2000x64xf32>
    %add3A_21 = arith.constant 9.99999996E-13 : f32
    %add3A_22 = vector.broadcast %add3A_21 : f32 to vector<2000x64xf32>
    %add3A_23 = arith.addf %mul3A_10, %add3A_22 : vector<2000x64xf32>
    %log3A_24 = math.log %add3A_23 : vector<2000x64xf32>
    %sub3A = arith.subf %log3A_20, %log3A_24 : vector<2000x64xf32>
    %mul3A_25 = arith.mulf %get3A_1, %sub3A : vector<2000x64xf32>
    %reduce_sum3A_26 = arith.constant dense<0.000000e+00> : vector<2000xf32>
    %reduce_sum3A_27 = vector.multi_reduction <add>, %mul3A_25, %reduce_sum3A_26 [1] : vector<2000x64xf32> to vector<2000xf32>
    %broadcast_in_dim3A_28 = vector.shape_cast %reduce_sum3A_27 : vector<2000xf32> to vector<2000x1xf32>
    %swap3A = arith.constant 0 : index
    %swap3A_29 = arith.constant 0 : index
    %swap3A_30 = vector.load %arg4[%swap3A, %swap3A_29] : memref<2000x1xf32, #tpu.memory_space<vmem>>, vector<2000x1xf32>
    tpu.vector_store %arg4[%swap3A, %swap3A_29], %neg3A_16 {strides = array<i32>} : memref<2000x1xf32, #tpu.memory_space<vmem>>, vector<2000x1xf32>,
    %swap3A_31 = arith.constant 0 : index
    %swap3A_32 = arith.constant 0 : index
    %swap3A_33 = vector.load %arg5[%swap3A_31, %swap3A_32] : memref<2000x1xf32, #tpu.memory_space<vmem>>, vector<2000x1xf32>
    tpu.vector_store %arg5[%swap3A_31, %swap3A_32], %broadcast_in_dim3A_28 {strides = array<i32>} : memref<2000x1xf32, #tpu.memory_space<vmem>>, vector<2000x1xf32>,
    %reduce_sum3A_34 = vector.shape_cast %neg3A_16 : vector<2000x1xf32> to vector<1x2000x1xf32>
    %reduce_sum3A_35 = arith.constant dense<0.000000e+00> : vector<1xf32>
    %reduce_sum3A_36 = vector.multi_reduction <add>, %reduce_sum3A_34, %reduce_sum3A_35 [1, 2] : vector<1x2000x1xf32> to vector<1xf32>
    %reduce_sum3A_37 = vector.shape_cast %reduce_sum3A_36 : vector<1xf32> to vector<1x1x1xf32>
    %reduce_sum3A_38 = vector.extract %reduce_sum3A_37[0, 0, 0] : f32 from vector<1x1x1xf32>
    %div3A = arith.constant 2.000000e+03 : f32
    %div3A_39 = arith.divf %reduce_sum3A_38, %div3A : f32
    %reduce_sum3A_40 = vector.shape_cast %broadcast_in_dim3A_28 : vector<2000x1xf32> to vector<1x2000x1xf32>
    %reduce_sum3A_41 = arith.constant dense<0.000000e+00> : vector<1xf32>
    %reduce_sum3A_42 = vector.multi_reduction <add>, %reduce_sum3A_40, %reduce_sum3A_41 [1, 2] : vector<1x2000x1xf32> to vector<1xf32>
    %reduce_sum3A_43 = vector.shape_cast %reduce_sum3A_42 : vector<1xf32> to vector<1x1x1xf32>
    %reduce_sum3A_44 = vector.extract %reduce_sum3A_43[0, 0, 0] : f32 from vector<1x1x1xf32>
    %div3A_45 = arith.constant 2.000000e+03 : f32
    %div3A_46 = arith.divf %reduce_sum3A_44, %div3A_45 : f32
    %sub3A_47 = vector.broadcast %div3A_39 : f32 to vector<2000x1xf32>
    %sub3A_48 = arith.subf %neg3A_16, %sub3A_47 : vector<2000x1xf32>
    %integer_pow3A = arith.mulf %sub3A_48, %sub3A_48 : vector<2000x1xf32>
    %reduce_sum3A_49 = vector.shape_cast %integer_pow3A : vector<2000x1xf32> to vector<1x2000x1xf32>
    %reduce_sum3A_50 = arith.constant dense<0.000000e+00> : vector<1xf32>
    %reduce_sum3A_51 = vector.multi_reduction <add>, %reduce_sum3A_49, %reduce_sum3A_50 [1, 2] : vector<1x2000x1xf32> to vector<1xf32>
    %reduce_sum3A_52 = vector.shape_cast %reduce_sum3A_51 : vector<1xf32> to vector<1x1x1xf32>
    %reduce_sum3A_53 = vector.extract %reduce_sum3A_52[0, 0, 0] : f32 from vector<1x1x1xf32>
    %sub3A_54 = vector.broadcast %div3A_46 : f32 to vector<2000x1xf32>
    %sub3A_55 = arith.subf %broadcast_in_dim3A_28, %sub3A_54 : vector<2000x1xf32>
    %integer_pow3A_56 = arith.mulf %sub3A_55, %sub3A_55 : vector<2000x1xf32>
    %reduce_sum3A_57 = vector.shape_cast %integer_pow3A_56 : vector<2000x1xf32> to vector<1x2000x1xf32>
    %reduce_sum3A_58 = arith.constant dense<0.000000e+00> : vector<1xf32>
    %reduce_sum3A_59 = vector.multi_reduction <add>, %reduce_sum3A_57, %reduce_sum3A_58 [1, 2] : vector<1x2000x1xf32> to vector<1xf32>
    %reduce_sum3A_60 = vector.shape_cast %reduce_sum3A_59 : vector<1xf32> to vector<1x1x1xf32>
    %reduce_sum3A_61 = vector.extract %reduce_sum3A_60[0, 0, 0] : f32 from vector<1x1x1xf32>
    %stack3A = vector.broadcast %div3A_39 : f32 to vector<1xf32>
    %stack3A_62 = vector.broadcast %reduce_sum3A_53 : f32 to vector<1xf32>
    %stack3A_63 = vector.broadcast %div3A_46 : f32 to vector<1xf32>
    %stack3A_64 = vector.broadcast %reduce_sum3A_61 : f32 to vector<1xf32>
    %stack3A_65 = vector.broadcast %div3A_39 : f32 to vector<1xf32>
    %stack3A_66 = vector.broadcast %div3A_39 : f32 to vector<1xf32>
    %stack3A_67 = vector.broadcast %div3A_39 : f32 to vector<1xf32>
    %stack3A_68 = vector.broadcast %div3A_39 : f32 to vector<1xf32>
    %stack3A_69 = tpu.concatenate %stack3A, %stack3A_62, %stack3A_63, %stack3A_64, %stack3A_65, %stack3A_66, %stack3A_67, %stack3A_68 in 0 : vector<1xf32>, vector<1xf32>, vector<1xf32>, vector<1xf32>, vector<1xf32>, vector<1xf32>, vector<1xf32>, vector<1xf32> -> vector<8xf32>
    %reshape3A = vector.shape_cast %stack3A_69 : vector<8xf32> to vector<1x1x8xf32>
    %swap3A_70 = arith.constant 0 : index
    %swap3A_71 = arith.constant 0 : index
    %swap3A_72 = arith.constant 0 : index
    %swap3A_73 = vector.load %arg6[%swap3A_70, %swap3A_71, %swap3A_72] : memref<1x1x8xf32, #tpu.memory_space<vmem>>, vector<1x1x8xf32>
    tpu.vector_store %arg6[%swap3A_70, %swap3A_71, %swap3A_72], %reshape3A {strides = array<i32>} : memref<1x1x8xf32, #tpu.memory_space<vmem>>, vector<1x1x8xf32>,
    return
  }
  func.func @transform_0(%arg0: i32) -> (i32, i32) {
    %c0_i32 = arith.constant 0 : i32
    %c0_i32_0 = arith.constant 0 : i32
    return %arg0, %c0_i32 : i32, i32
  }
  func.func @transform_1(%arg0: i32) -> (i32, i32, i32) {
    %c0_i32 = arith.constant 0 : i32
    %c0_i32_0 = arith.constant 0 : i32
    %c0_i32_1 = arith.constant 0 : i32
    return %c0_i32, %arg0, %c0_i32_0 : i32, i32, i32
  }
  func.func @transform_2(%arg0: i32) -> (i32, i32) {
    %c0_i32 = arith.constant 0 : i32
    %c0_i32_0 = arith.constant 0 : i32
    return %arg0, %c0_i32 : i32, i32
  }
  func.func @transform_3(%arg0: i32) -> (i32, i32) {
    %c0_i32 = arith.constant 0 : i32
    %c0_i32_0 = arith.constant 0 : i32
    return %arg0, %c0_i32 : i32, i32
  }
  func.func @transform_4(%arg0: i32) -> (i32, i32) {
    %c0_i32 = arith.constant 0 : i32
    %c0_i32_0 = arith.constant 0 : i32
    return %arg0, %c0_i32 : i32, i32
  }
  func.func @transform_5(%arg0: i32) -> (i32, i32, i32) {
    %c0_i32 = arith.constant 0 : i32
    %c0_i32_0 = arith.constant 0 : i32
    %c0_i32_1 = arith.constant 0 : i32
    return %arg0, %c0_i32, %c0_i32_0 : i32, i32, i32
  }
}

module attributes {stable_mosaic.version = 14 : i64} {
  func.func @_update_body(%arg0: i32, %arg1: memref<2000x96xf32, #tpu.memory_space<vmem>>, %arg2: memref<2000x96xf32, #tpu.memory_space<vmem>>, %arg3: memref<2x2000x96xf32, #tpu.memory_space<vmem>>, %arg4: memref<2000x1xf32, #tpu.memory_space<vmem>>, %arg5: memref<2000x1xf32, #tpu.memory_space<vmem>>, %arg6: memref<2000x1xf32, #tpu.memory_space<vmem>>, %arg7: memref<5x1x8xf32, #tpu.memory_space<vmem>>, %arg8: memref<2000x1xf32, #tpu.memory_space<vmem>>, %arg9: memref<1x1xf32, #tpu.memory_space<vmem>>, %arg10: memref<1x1xf32, #tpu.memory_space<vmem>>, %arg11: memref<2000x128xf32, #tpu.memory_space<vmem>>, %arg12: memref<2000x1xf32, #tpu.memory_space<vmem>>) attributes {dimension_semantics = [#tpu.dimension_semantics<arbitrary>], iteration_bounds = array<i64: 5>, scalar_prefetch = 0 : i64, scratch_operands = 0 : i64, tpu.core_type = #tpu.core_type<tc>, window_params = [{transform_indices = @transform_0, window_bounds = array<i64: 2000, 96>}, {transform_indices = @transform_1, window_bounds = array<i64: 2000, 96>}, {transform_indices = @transform_2, window_bounds = array<i64: 2, 2000, 96>}, {transform_indices = @transform_3, window_bounds = array<i64: 2000, 1>}, {transform_indices = @transform_4, window_bounds = array<i64: 2000, 1>}, {transform_indices = @transform_5, window_bounds = array<i64: 2000, 1>}, {pipeline_mode = #tpu.pipeline_mode<synchronous>, transform_indices = @transform_6, window_bounds = array<i64: 5, 1, 8>}, {transform_indices = @transform_7, window_bounds = array<i64: 2000, 1>}, {pipeline_mode = #tpu.pipeline_mode<synchronous>, transform_indices = @transform_8, window_bounds = array<i64: 1, 1>}, {pipeline_mode = #tpu.pipeline_mode<synchronous>, transform_indices = @transform_9, window_bounds = array<i64: 1, 1>}, {transform_indices = @transform_10, window_bounds = array<i64: 2000, 128>}, {transform_indices = @transform_11, window_bounds = array<i64: 2000, 1>}]} {
    %get3A = arith.constant 0 : index
    %get3A_0 = arith.constant 0 : index
    %get3A_1 = arith.constant 0 : index
    %get3A_2 = vector.load %arg7[%get3A, %get3A_0, %get3A_1] : memref<5x1x8xf32, #tpu.memory_space<vmem>>, vector<5x1x8xf32>
    %get3A_3 = vector.shape_cast %get3A_2 : vector<5x1x8xf32> to vector<5x8xf32>
    %slice3A = vector.extract_strided_slice %get3A_3 {offsets = [0, 0], sizes = [5, 1], strides = [1, 1]} : vector<5x8xf32> to vector<5x1xf32>
    %reduce_sum3A = vector.shape_cast %slice3A : vector<5x1xf32> to vector<1x5x1xf32>
    %reduce_sum3A_4 = arith.constant dense<0.000000e+00> : vector<1xf32>
    %reduce_sum3A_5 = vector.multi_reduction <add>, %reduce_sum3A, %reduce_sum3A_4 [1, 2] : vector<1x5x1xf32> to vector<1xf32>
    %reduce_sum3A_6 = vector.shape_cast %reduce_sum3A_5 : vector<1xf32> to vector<1x1x1xf32>
    %reduce_sum3A_7 = vector.extract %reduce_sum3A_6[0, 0, 0] : f32 from vector<1x1x1xf32>
    %div3A = arith.constant 5.000000e+00 : f32
    %div3A_8 = arith.divf %reduce_sum3A_7, %div3A : f32
    %slice3A_9 = vector.extract_strided_slice %get3A_3 {offsets = [0, 2], sizes = [5, 1], strides = [1, 1]} : vector<5x8xf32> to vector<5x1xf32>
    %reduce_sum3A_10 = vector.shape_cast %slice3A_9 : vector<5x1xf32> to vector<1x5x1xf32>
    %reduce_sum3A_11 = arith.constant dense<0.000000e+00> : vector<1xf32>
    %reduce_sum3A_12 = vector.multi_reduction <add>, %reduce_sum3A_10, %reduce_sum3A_11 [1, 2] : vector<1x5x1xf32> to vector<1xf32>
    %reduce_sum3A_13 = vector.shape_cast %reduce_sum3A_12 : vector<1xf32> to vector<1x1x1xf32>
    %reduce_sum3A_14 = vector.extract %reduce_sum3A_13[0, 0, 0] : f32 from vector<1x1x1xf32>
    %div3A_15 = arith.constant 5.000000e+00 : f32
    %div3A_16 = arith.divf %reduce_sum3A_14, %div3A_15 : f32
    %slice3A_17 = vector.extract_strided_slice %get3A_3 {offsets = [0, 1], sizes = [5, 1], strides = [1, 1]} : vector<5x8xf32> to vector<5x1xf32>
    %reduce_sum3A_18 = vector.shape_cast %slice3A_17 : vector<5x1xf32> to vector<1x5x1xf32>
    %reduce_sum3A_19 = arith.constant dense<0.000000e+00> : vector<1xf32>
    %reduce_sum3A_20 = vector.multi_reduction <add>, %reduce_sum3A_18, %reduce_sum3A_19 [1, 2] : vector<1x5x1xf32> to vector<1xf32>
    %reduce_sum3A_21 = vector.shape_cast %reduce_sum3A_20 : vector<1xf32> to vector<1x1x1xf32>
    %reduce_sum3A_22 = vector.extract %reduce_sum3A_21[0, 0, 0] : f32 from vector<1x1x1xf32>
    %slice3A_23 = vector.extract_strided_slice %get3A_3 {offsets = [0, 0], sizes = [5, 1], strides = [1, 1]} : vector<5x8xf32> to vector<5x1xf32>
    %sub3A = vector.broadcast %div3A_8 : f32 to vector<5x1xf32>
    %sub3A_24 = arith.subf %slice3A_23, %sub3A : vector<5x1xf32>
    %integer_pow3A = arith.mulf %sub3A_24, %sub3A_24 : vector<5x1xf32>
    %reduce_sum3A_25 = vector.shape_cast %integer_pow3A : vector<5x1xf32> to vector<1x5x1xf32>
    %reduce_sum3A_26 = arith.constant dense<0.000000e+00> : vector<1xf32>
    %reduce_sum3A_27 = vector.multi_reduction <add>, %reduce_sum3A_25, %reduce_sum3A_26 [1, 2] : vector<1x5x1xf32> to vector<1xf32>
    %reduce_sum3A_28 = vector.shape_cast %reduce_sum3A_27 : vector<1xf32> to vector<1x1x1xf32>
    %reduce_sum3A_29 = vector.extract %reduce_sum3A_28[0, 0, 0] : f32 from vector<1x1x1xf32>
    %mul3A = arith.constant 2.000000e+03 : f32
    %mul3A_30 = arith.mulf %mul3A, %reduce_sum3A_29 : f32
    %add3A = arith.addf %reduce_sum3A_22, %mul3A_30 : f32
    %div3A_31 = arith.constant 1.000000e+04 : f32
    %div3A_32 = arith.divf %add3A, %div3A_31 : f32
    %slice3A_33 = vector.extract_strided_slice %get3A_3 {offsets = [0, 3], sizes = [5, 1], strides = [1, 1]} : vector<5x8xf32> to vector<5x1xf32>
    %reduce_sum3A_34 = vector.shape_cast %slice3A_33 : vector<5x1xf32> to vector<1x5x1xf32>
    %reduce_sum3A_35 = arith.constant dense<0.000000e+00> : vector<1xf32>
    %reduce_sum3A_36 = vector.multi_reduction <add>, %reduce_sum3A_34, %reduce_sum3A_35 [1, 2] : vector<1x5x1xf32> to vector<1xf32>
    %reduce_sum3A_37 = vector.shape_cast %reduce_sum3A_36 : vector<1xf32> to vector<1x1x1xf32>
    %reduce_sum3A_38 = vector.extract %reduce_sum3A_37[0, 0, 0] : f32 from vector<1x1x1xf32>
    %slice3A_39 = vector.extract_strided_slice %get3A_3 {offsets = [0, 2], sizes = [5, 1], strides = [1, 1]} : vector<5x8xf32> to vector<5x1xf32>
    %sub3A_40 = vector.broadcast %div3A_16 : f32 to vector<5x1xf32>
    %sub3A_41 = arith.subf %slice3A_39, %sub3A_40 : vector<5x1xf32>
    %integer_pow3A_42 = arith.mulf %sub3A_41, %sub3A_41 : vector<5x1xf32>
    %reduce_sum3A_43 = vector.shape_cast %integer_pow3A_42 : vector<5x1xf32> to vector<1x5x1xf32>
    %reduce_sum3A_44 = arith.constant dense<0.000000e+00> : vector<1xf32>
    %reduce_sum3A_45 = vector.multi_reduction <add>, %reduce_sum3A_43, %reduce_sum3A_44 [1, 2] : vector<1x5x1xf32> to vector<1xf32>
    %reduce_sum3A_46 = vector.shape_cast %reduce_sum3A_45 : vector<1xf32> to vector<1x1x1xf32>
    %reduce_sum3A_47 = vector.extract %reduce_sum3A_46[0, 0, 0] : f32 from vector<1x1x1xf32>
    %mul3A_48 = arith.constant 2.000000e+03 : f32
    %mul3A_49 = arith.mulf %mul3A_48, %reduce_sum3A_47 : f32
    %add3A_50 = arith.addf %reduce_sum3A_38, %mul3A_49 : f32
    %div3A_51 = arith.constant 1.000000e+04 : f32
    %div3A_52 = arith.divf %add3A_50, %div3A_51 : f32
    %get3A_53 = arith.constant 0 : index
    %get3A_54 = arith.constant 0 : index
    %get3A_55 = vector.load %arg5[%get3A_53, %get3A_54] : memref<2000x1xf32, #tpu.memory_space<vmem>>, vector<2000x1xf32>
    %sub3A_56 = vector.broadcast %div3A_8 : f32 to vector<2000x1xf32>
    %sub3A_57 = arith.subf %get3A_55, %sub3A_56 : vector<2000x1xf32>
    %add3A_58 = arith.constant 9.99999974E-6 : f32
    %add3A_59 = arith.addf %div3A_32, %add3A_58 : f32
    %sqrt3A = math.sqrt %add3A_59 : f32
    %div3A_60 = vector.broadcast %sqrt3A : f32 to vector<2000x1xf32>
    %div3A_61 = arith.divf %sub3A_57, %div3A_60 : vector<2000x1xf32>
    %get3A_62 = arith.constant 0 : index
    %get3A_63 = arith.constant 0 : index
    %get3A_64 = vector.load %arg6[%get3A_62, %get3A_63] : memref<2000x1xf32, #tpu.memory_space<vmem>>, vector<2000x1xf32>
    %sub3A_65 = vector.broadcast %div3A_16 : f32 to vector<2000x1xf32>
    %sub3A_66 = arith.subf %get3A_64, %sub3A_65 : vector<2000x1xf32>
    %add3A_67 = arith.constant 9.99999974E-6 : f32
    %add3A_68 = arith.addf %div3A_52, %add3A_67 : f32
    %sqrt3A_69 = math.sqrt %add3A_68 : f32
    %div3A_70 = vector.broadcast %sqrt3A_69 : f32 to vector<2000x1xf32>
    %div3A_71 = arith.divf %sub3A_66, %div3A_70 : vector<2000x1xf32>
    %get3A_72 = arith.constant 0 : index
    %get3A_73 = arith.constant 0 : index
    %get3A_74 = vector.load %arg9[%get3A_72, %get3A_73] : memref<1x1xf32, #tpu.memory_space<vmem>>, vector<1x1xf32>
    %get3A_75 = vector.extract %get3A_74[0, 0] : f32 from vector<1x1xf32>
    %sub3A_76 = vector.broadcast %get3A_75 : f32 to vector<2000x1xf32>
    %sub3A_77 = arith.subf %div3A_61, %sub3A_76 : vector<2000x1xf32>
    %neg3A = arith.constant 0.000000e+00 : f32
    %neg3A_78 = vector.broadcast %neg3A : f32 to vector<2000x1xf32>
    %neg3A_79 = arith.subf %neg3A_78, %sub3A_77 : vector<2000x1xf32>
    %logistic3A = arith.negf %neg3A_79 : vector<2000x1xf32>
    %logistic3A_80 = math.exp %logistic3A : vector<2000x1xf32>
    %logistic3A_81 = arith.constant 1.000000e+00 : f32
    %logistic3A_82 = vector.broadcast %logistic3A_81 : f32 to vector<2000x1xf32>
    %logistic3A_83 = arith.addf %logistic3A_82, %logistic3A_80 : vector<2000x1xf32>
    %logistic3A_84 = arith.divf %logistic3A_82, %logistic3A_83 : vector<2000x1xf32>
    %get3A_85 = arith.constant 0 : index
    %get3A_86 = arith.constant 0 : index
    %get3A_87 = vector.load %arg10[%get3A_85, %get3A_86] : memref<1x1xf32, #tpu.memory_space<vmem>>, vector<1x1xf32>
    %get3A_88 = vector.extract %get3A_87[0, 0] : f32 from vector<1x1xf32>
    %sub3A_89 = vector.broadcast %get3A_88 : f32 to vector<2000x1xf32>
    %sub3A_90 = arith.subf %div3A_71, %sub3A_89 : vector<2000x1xf32>
    %neg3A_91 = arith.constant 0.000000e+00 : f32
    %neg3A_92 = vector.broadcast %neg3A_91 : f32 to vector<2000x1xf32>
    %neg3A_93 = arith.subf %neg3A_92, %sub3A_90 : vector<2000x1xf32>
    %logistic3A_94 = arith.negf %neg3A_93 : vector<2000x1xf32>
    %logistic3A_95 = math.exp %logistic3A_94 : vector<2000x1xf32>
    %logistic3A_96 = arith.constant 1.000000e+00 : f32
    %logistic3A_97 = vector.broadcast %logistic3A_96 : f32 to vector<2000x1xf32>
    %logistic3A_98 = arith.addf %logistic3A_97, %logistic3A_95 : vector<2000x1xf32>
    %logistic3A_99 = arith.divf %logistic3A_97, %logistic3A_98 : vector<2000x1xf32>
    %mul3A_100 = arith.mulf %logistic3A_84, %logistic3A_99 : vector<2000x1xf32>
    %get3A_101 = arith.constant 0 : index
    %get3A_102 = arith.constant 0 : index
    %get3A_103 = vector.load %arg8[%get3A_101, %get3A_102] : memref<2000x1xf32, #tpu.memory_space<vmem>>, vector<2000x1xf32>
    %min3A = arith.minimumf %get3A_103, %mul3A_100 : vector<2000x1xf32>
    %get3A_104 = arith.constant 0 : index
    %get3A_105 = arith.constant 64 : index
    %get3A_106 = vector.load %arg1[%get3A_104, %get3A_105] : memref<2000x96xf32, #tpu.memory_space<vmem>>, vector<2000x32xf32>
    %get3A_107 = arith.constant 0 : index
    %get3A_108 = arith.constant 0 : index
    %get3A_109 = vector.load %arg2[%get3A_107, %get3A_108] : memref<2000x96xf32, #tpu.memory_space<vmem>>, vector<2000x96xf32>
    %concatenate3A = tpu.concatenate %get3A_106, %get3A_109 in 1 : vector<2000x32xf32>, vector<2000x96xf32> -> vector<2000x128xf32>
    %get3A_110 = arith.constant 0 : index
    %get3A_111 = arith.constant 0 : index
    %get3A_112 = arith.constant 64 : index
    %get3A_113 = vector.load %arg3[%get3A_110, %get3A_111, %get3A_112] : memref<2x2000x96xf32, #tpu.memory_space<vmem>>, vector<1x2000x32xf32>
    %get3A_114 = vector.shape_cast %get3A_113 : vector<1x2000x32xf32> to vector<2000x32xf32>
    %get3A_115 = arith.constant 1 : index
    %get3A_116 = arith.constant 0 : index
    %get3A_117 = arith.constant 0 : index
    %get3A_118 = vector.load %arg3[%get3A_115, %get3A_116, %get3A_117] : memref<2x2000x96xf32, #tpu.memory_space<vmem>>, vector<1x2000x96xf32>
    %get3A_119 = vector.shape_cast %get3A_118 : vector<1x2000x96xf32> to vector<2000x96xf32>
    %concatenate3A_120 = tpu.concatenate %get3A_114, %get3A_119 in 1 : vector<2000x32xf32>, vector<2000x96xf32> -> vector<2000x128xf32>
    %get3A_121 = arith.constant 0 : index
    %get3A_122 = arith.constant 0 : index
    %get3A_123 = vector.load %arg4[%get3A_121, %get3A_122] : memref<2000x1xf32, #tpu.memory_space<vmem>>, vector<2000x1xf32>
    %mul3A_124 = vector.broadcast %get3A_123 : vector<2000x1xf32> to vector<2000x128xf32>
    %mul3A_125 = arith.mulf %concatenate3A_120, %mul3A_124 : vector<2000x128xf32>
    %max3A = arith.constant 0.000000e+00 : f32
    %max3A_126 = vector.broadcast %max3A : f32 to vector<2000x128xf32>
    %max3A_127 = arith.maximumf %mul3A_125, %max3A_126 : vector<2000x128xf32>
    %mul3A_128 = vector.broadcast %min3A : vector<2000x1xf32> to vector<2000x128xf32>
    %mul3A_129 = arith.mulf %mul3A_128, %max3A_127 : vector<2000x128xf32>
    %add3A_130 = arith.addf %concatenate3A, %mul3A_129 : vector<2000x128xf32>
    %swap3A = arith.constant 0 : index
    %swap3A_131 = arith.constant 0 : index
    %swap3A_132 = vector.load %arg11[%swap3A, %swap3A_131] : memref<2000x128xf32, #tpu.memory_space<vmem>>, vector<2000x128xf32>
    tpu.vector_store %arg11[%swap3A, %swap3A_131], %add3A_130 {strides = array<i32>} : memref<2000x128xf32, #tpu.memory_space<vmem>>, vector<2000x128xf32>,
    %swap3A_133 = arith.constant 0 : index
    %swap3A_134 = arith.constant 0 : index
    %swap3A_135 = vector.load %arg12[%swap3A_133, %swap3A_134] : memref<2000x1xf32, #tpu.memory_space<vmem>>, vector<2000x1xf32>
    tpu.vector_store %arg12[%swap3A_133, %swap3A_134], %mul3A_100 {strides = array<i32>} : memref<2000x1xf32, #tpu.memory_space<vmem>>, vector<2000x1xf32>,
    return
  }
  func.func @transform_0(%arg0: i32) -> (i32, i32) {
    %c0_i32 = arith.constant 0 : i32
    %c0_i32_0 = arith.constant 0 : i32
    return %arg0, %c0_i32 : i32, i32
  }
  func.func @transform_1(%arg0: i32) -> (i32, i32) {
    %add3A = arith.constant 5 : i32
    %add3A_0 = arith.addi %add3A, %arg0 : i32
    %c0_i32 = arith.constant 0 : i32
    %c0_i32_1 = arith.constant 0 : i32
    return %add3A_0, %c0_i32 : i32, i32
  }
  func.func @transform_2(%arg0: i32) -> (i32, i32, i32) {
    %c0_i32 = arith.constant 0 : i32
    %c0_i32_0 = arith.constant 0 : i32
    %c0_i32_1 = arith.constant 0 : i32
    return %c0_i32, %arg0, %c0_i32_0 : i32, i32, i32
  }
  func.func @transform_3(%arg0: i32) -> (i32, i32) {
    %c0_i32 = arith.constant 0 : i32
    %c0_i32_0 = arith.constant 0 : i32
    return %arg0, %c0_i32 : i32, i32
  }
  func.func @transform_4(%arg0: i32) -> (i32, i32) {
    %c0_i32 = arith.constant 0 : i32
    %c0_i32_0 = arith.constant 0 : i32
    return %arg0, %c0_i32 : i32, i32
  }
  func.func @transform_5(%arg0: i32) -> (i32, i32) {
    %c0_i32 = arith.constant 0 : i32
    %c0_i32_0 = arith.constant 0 : i32
    return %arg0, %c0_i32 : i32, i32
  }
  func.func @transform_6(%arg0: i32) -> (i32, i32, i32) {
    %c0_i32 = arith.constant 0 : i32
    %c0_i32_0 = arith.constant 0 : i32
    %c0_i32_1 = arith.constant 0 : i32
    %c0_i32_2 = arith.constant 0 : i32
    return %c0_i32, %c0_i32_0, %c0_i32_1 : i32, i32, i32
  }
  func.func @transform_7(%arg0: i32) -> (i32, i32) {
    %c0_i32 = arith.constant 0 : i32
    %c0_i32_0 = arith.constant 0 : i32
    return %arg0, %c0_i32 : i32, i32
  }
  func.func @transform_8(%arg0: i32) -> (i32, i32) {
    %c0_i32 = arith.constant 0 : i32
    %c0_i32_0 = arith.constant 0 : i32
    %c0_i32_1 = arith.constant 0 : i32
    return %c0_i32, %c0_i32_0 : i32, i32
  }
  func.func @transform_9(%arg0: i32) -> (i32, i32) {
    %c0_i32 = arith.constant 0 : i32
    %c0_i32_0 = arith.constant 0 : i32
    %c0_i32_1 = arith.constant 0 : i32
    return %c0_i32, %c0_i32_0 : i32, i32
  }
  func.func @transform_10(%arg0: i32) -> (i32, i32) {
    %c0_i32 = arith.constant 0 : i32
    %c0_i32_0 = arith.constant 0 : i32
    return %arg0, %c0_i32 : i32, i32
  }
  func.func @transform_11(%arg0: i32) -> (i32, i32) {
    %c0_i32 = arith.constant 0 : i32
    %c0_i32_0 = arith.constant 0 : i32
    return %arg0, %c0_i32 : i32, i32
  }
}

</mosaic_0001>

<sc_bundles>
// kernel: kernel.6.cloned.1.call-start
scs
__scs_entry_jumppad:
0x0: {  	(pc) =	sbr.rel $0x88, $3  }
0x1: {  	(tag) =	ssettag $0x0;
	lr =	simm.s32 $0x1  }
0x2: {  	[smem:$0x3F9A] =	sst lr;
	_ =	strace $0xD0000000  }
0x3: {  	_ = 	snop  }
0x4: {  	_ = 	snop  }
0x5: {  	_ = 	snop  }
0x6: {  	_ = 	snop  }
0x7: {  	_ = 	snop  }
__scs_overlays_trampoline_lowered:
0x8: {  	[smem:$0x3FA9] =	sst s0  }
0x9: {  	[smem:$0x3FAA] =	sst s1  }
0xa: {  	[smem:$0x3FAB] =	sst s2  }
0xb: {  	[smem:$0x3FAC] =	sst s3  }
0xc: {  	[smem:$0x3FAD] =	sst s4  }
0xd: {  	[smem:$0x3FAE] =	sst s5  }
0xe: {  	[smem:$0x3FAF] =	sst s6  }
0xf: {  	[smem:$0x3FB0] =	sst s7  }
0x10: {  	[smem:$0x3FB1] =	sst s8  }
0x11: {  	[smem:$0x3FB2] =	sst s9;
	s0 =	simm.s32 @!p0 $0x0  }
0x12: {  	s1 =	sld [smem:$0x3F98];
	s0 =	simm.s32 @p0 $0x1  }
0x13: {  	[smem:$0x3FB3] =	sst s0;
	s0 =	simm.s32 @!p1 $0x0  }
0x14: {  	s2 =	sld [smem:$0x3F97];
	s0 =	simm.s32 @p1 $0x1  }
0x15: {  	[smem:$0x3FB4] =	sst s0;
	s0 =	simm.s32 @!p2 $0x0  }
0x16: {  	s3 =	sld [smem:$0x3FDB];
	s0 =	simm.s32 @p2 $0x1  }
0x17: {  	s4 =	simm.s32 $0x1BF5;
	[smem:$0x3FB6] =	sst s0  }
0x18: {  	s0 =	sld [smem:$0x3F99];
	_ =	swait.ge [sflag:s4], $0x0  }
0x19: {  	s7 =	sld [smem:$0x3F9A]  }
0x1a: {  	s8 =	sadd.s32 $0xFFFFE003, lr  }
0x1b: {  	s9 =	sadd.s32 $0xFFFFFEF7, lr;
	s5 =	simm.s32 $0xFFFFFFFF;
	p2 =	slt.u32 s8, $0xFFFFF086  }
0x1c: {  	p1 =	slt.u32 s9, $0xF7A;
	s5 =	simm.s32 @!p2 $0x0  }
0x1d: {  	s5 =	simm.s32 @p1 $0x1;
	p0 =	seq.s32 s7, s2  }
0x1e: {  	s7 =	smul.u32 @!p0 $0xF7A, s2;
	p2 =	seq.s32 @!p0 s5, $0x0  }
0x1f: {  	s9 =	smul.u32 $0xF7A, s1;
	s8 =	simm.s32 @!p0 $0x1BF5;
	p2 =	por !p2, p0  }
0x20: {  	[sflag:s8] =	ssyncset.s32 @!p0 $0xFFFFF086;
	s6 =	sadd.s32 @!p0 s3, s7;
	s7 =	simm.s32 @!p0 $0x108  }
0x21: {  	s3 =	sadd.s32 s3, s9;
	s6 =	sadd.s32 @!p0 $0x88, s6;
	s7 =	simm.s32 @p2 $0x1082  }
0x22: {  	[simem:s7], [sflag:s8] =	dma.local @!p0 [hbm:s6], $0xF7A  }
0x23: {  	s9 =	sor.u32 $0xD0000000, s2;
	s6 =	simm.s32 $0x108;
	_ =	swait.ge @!p0 [sflag:s8], $0x0  }
0x24: {  	s3 =	sadd.s32 $0x88, s3;
	s6 =	simm.s32 @!p1 $0x1082;
	[sflag:s4] =	ssyncset.s32 $0xFFFFF086  }
0x25: {  	[simem:s6], [sflag:s4] =	dma.local [hbm:s3], $0xF7A  }
0x26: {  	[smem:$0x3F9A] =	sst s1;
	(tag) =	ssettag s2;
	_ =	strace s9  }
0x27: {  	s1 =	sld [smem:$0x3FAA]  }
0x28: {  	s2 =	sld [smem:$0x3FAB]  }
0x29: {  	s4 =	sld [smem:$0x3FAD]  }
0x2a: {  	p0 =	seq.s32 s5, $0x0;
	s5 =	sld [smem:$0x3FAE]  }
0x2b: {  	s6 =	sld [smem:$0x3FAF]  }
0x2c: {  	s7 =	sld [smem:$0x3FB0]  }
0x2d: {  	s3 =	simm.s32 $0x108;
	s8 =	sld [smem:$0x3FB1]  }
0x2e: {  	s3 =	simm.s32 @!p0 $0x1082;
	s9 =	sld [smem:$0x3FB2]  }
0x2f: {  	lr =	sadd.s32 s0, s3;
	s0 =	sld [smem:$0x3FA9]  }
0x30: {  	s3 =	sld [smem:$0x3FAC]  }
0x31: {  	[smem:$0x3FB5] =	sst s10  }
0x32: {  	s10 =	sld [smem:$0x3FB3];
	_ =	sdelay $0x3  }
0x33: {  	p0 =	seq.s32 s10, $0x1;
	s10 =	sld [smem:$0x3FB5];
	_ =	sdelay $0x3  }
0x34: {  	[smem:$0x3FB5] =	sst s10  }
0x35: {  	s10 =	sld [smem:$0x3FB4];
	_ =	sdelay $0x3  }
0x36: {  	p1 =	seq.s32 s10, $0x1;
	s10 =	sld [smem:$0x3FB5];
	_ =	sdelay $0x3  }
0x37: {  	[smem:$0x3FB5] =	sst s10  }
0x38: {  	s10 =	sld [smem:$0x3FB6]  }
0x39: {  	_ = 	snop;
	(pc) =	sbr.ind lr, $3  }
0x3a: {  	_ = 	snop  }
0x3b: {  	_ = 	snop  }
0x3c: {  	p2 =	seq.s32 s10, $0x1;
	s10 =	sld [smem:$0x3FB5]  }
0x3d: {  	_ =	shalt  }
0x3e: {  	_ =	shalt  }
0x3f: {  	_ =	shalt  }
0x40: {  	_ =	shalt  }
0x41: {  	_ =	shalt  }
0x42: {  	_ =	shalt  }
0x43: {  	_ =	shalt  }
0x44: {  	_ =	shalt  }
0x45: {  	_ =	shalt  }
0x46: {  	_ =	shalt  }
0x47: {  	_ =	shalt  }
0x48: {  	_ =	shalt  }
0x49: {  	_ =	shalt  }
0x4a: {  	_ =	shalt  }
0x4b: {  	_ =	shalt  }
0x4c: {  	_ =	shalt  }
0x4d: {  	_ =	shalt  }
0x4e: {  	_ =	shalt  }
0x4f: {  	_ =	shalt  }
0x50: {  	_ =	shalt  }
0x51: {  	_ =	shalt  }
0x52: {  	_ =	shalt  }
0x53: {  	_ =	shalt  }
0x54: {  	_ =	shalt  }
0x55: {  	_ =	shalt  }
0x56: {  	_ =	shalt  }
0x57: {  	_ =	shalt  }
0x58: {  	_ =	shalt  }
0x59: {  	_ =	shalt  }
0x5a: {  	_ =	shalt  }
0x5b: {  	_ =	shalt  }
0x5c: {  	_ =	shalt  }
0x5d: {  	_ =	shalt  }
0x5e: {  	_ =	shalt  }
0x5f: {  	_ =	shalt  }
0x60: {  	_ =	shalt  }
0x61: {  	_ =	shalt  }
0x62: {  	_ =	shalt  }
0x63: {  	_ =	shalt  }
0x64: {  	_ =	shalt  }
0x65: {  	_ =	shalt  }
0x66: {  	_ =	shalt  }
0x67: {  	_ =	shalt  }
0x68: {  	_ =	shalt  }
0x69: {  	_ =	shalt  }
0x6a: {  	_ =	shalt  }
0x6b: {  	_ =	shalt  }
0x6c: {  	_ =	shalt  }
0x6d: {  	_ =	shalt  }
0x6e: {  	_ =	shalt  }
0x6f: {  	_ =	shalt  }
0x70: {  	_ =	shalt  }
0x71: {  	_ =	shalt  }
0x72: {  	_ =	shalt  }
0x73: {  	_ =	shalt  }
0x74: {  	_ =	shalt  }
0x75: {  	_ =	shalt  }
0x76: {  	_ =	shalt  }
0x77: {  	_ =	shalt  }
0x78: {  	_ =	shalt  }
0x79: {  	_ =	shalt  }
0x7a: {  	_ =	shalt  }
0x7b: {  	_ =	shalt  }
0x7c: {  	_ =	shalt  }
0x7d: {  	_ =	shalt  }
0x7e: {  	_ =	shalt  }
0x7f: {  	_ =	shalt  }
0x80: {  	_ =	shalt  }
0x81: {  	_ =	shalt  }
0x82: {  	_ =	shalt  }
0x83: {  	_ =	shalt  }
0x84: {  	_ =	shalt  }
0x85: {  	_ =	shalt  }
0x86: {  	_ =	shalt  }
0x87: {  	_ =	shalt  }
.Lfunc_end0:
.L_simem_size_0:
called_computation_lowered:
.L_overlay_start_0:
0x88: {  	s2 =	sld [smem:$0x3FD9]  }
0x89: {  	s3 =	sld [smem:$0x3FFE];
	_ =	sdelay $0x1  }
0x8a: {  	s1 =	srdreg.scid  }
0x8b: {  	s0 =	sand.u32 $0x1, s1  }
0x8c: {  	s14 =	sshll.u32 s0, $0xA;
	s2 =	sadd.s32 s3, s2  }
0x8d: {  	s2 =	sadd.s32 s2, s14  }
0x8e: {  	[smem:$0x3FC1] =	sst s2  }
0x8f: {  	_ = 	snop  }
0x90: {  	s2 =	sld [smem:$0x3FD0];
	_ =	sdelay $0x2  }
0x91: {  	s15 =	simm.s32 $0xA;
	s4 =	simm.s32 $0x10  }
0x92: {  	[smem:s4], [sflag:s15] =	dma.local [hbm:s2], $0x1  }
0x93: {  	_ =	swait.eq [sflag:s15], $0x1  }
0x94: {  	[sflag:s15] =	ssyncset.done $0x0  }
0x95: {  	[sflag:s15] =	ssyncadd.s32 $0xFFFFFFFF  }
0x96: {  	s16 =	sld [smem:$0x10];
	(tm) =	ssettm $0x1  }
0x97: {  	s17 =	sld [smem:$0x3FFB];
	_ =	sdelay $0x3  }
0x98: {  	_ =	strace s17  }
0x99: {  	s3 =	sld [smem:$0x3FFC];
	_ =	sdelay $0x3  }
0x9a: {  	_ =	strace s3  }
0x9b: {  	s3 =	sld [smem:$0x3FFD];
	_ =	sdelay $0x3  }
0x9c: {  	_ =	strace s3  }
0x9d: {  	_ =	strace $0x8FFFFFFF  }
0x9e: {  	s18 =	sld [smem:$0x3FDB];
	_ =	sdelay $0x1  }
0x9f: {  	s19 =	simm.s32 $_scs_section_size  }
0xa0: {  	s5 =	simm.s32 $_size__tile_overlayer_lowered;
	s6 =	simm.s32 $_tile_overlayer_lowered  }
0xa1: {  	s22 =	simm.s32 $0x1BFF;
	s21 =	sshll.u32 s6, $0x1;
	s3 =	sadd.s32 s19, s18  }
0xa2: {  	s7 =	simm.s32 $0x0;
	s20 =	sshll.u32 s5, $0x1;
	s5 =	sadd.s32 s21, s3  }
0xa3: {  	[timem:s7], [sflag:s22] =	dma.local [hbm:s5], s20  }
0xa4: {  	_ =	swait.ge [sflag:s22], s20  }
0xa5: {  	s4 =	ssub.s32 $0x0, s20;
	[sflag:s22] =	ssyncset.done $0x0  }
0xa6: {  	[sflag:s22] =	ssyncadd.s32 s4;
	_ =	sdelay $0x1  }
0xa7: {  	s23 =	simm.s32 $0x1B8B  }
0xa8: {  	_ =	swait.ge [sflag:s23], $0x1  }
0xa9: {  	[sflag:s23] =	ssyncset.done $0x0  }
0xaa: {  	s25 =	simm.s32 $0x1B8E;
	s24 =	sld [smem:$0x3FFE];
	[sflag:s23] =	ssyncadd.s32 $0xFFFFFFFF  }
0xab: {  	s26 =	simm.s32 $execute0_lowered;
	[smem:$0x3FD2] =	sst s25  }
0xac: {  	s5 =	sshll.u32 s26, $0x1;
	_ =	strace $0x80000046;
	[dreg:$0x1] =	wrdreg $0xFFFFFFFF  }
0xad: {  	s28 =	simm.s32 $_size_execute0_lowered;
	s3 =	sadd.s32 s3, s5;
	[dreg:$0x0] =	wrdreg $0x0  }
0xae: {  	s5 =	sshll.u32 s28, $0x1;
	[dreg:$0x2] =	wrdreg s3  }
0xaf: {  	[dreg:$0x3] =	wrdreg s5  }
0xb0: {  	[dreg:$0x4] =	wrdreg $0xC0  }
0xb1: {  	_ =	task [dreg:s7], $0x5FFFF  }
0xb2: {  	[dreg:$0x1] =	wrdreg $0xFFFFFFFF  }
0xb3: {  	[dreg:$0x0] =	wrdreg $0x60  }
0xb4: {  	[dreg:$0x2] =	wrdreg s24  }
0xb5: {  	[dreg:$0x3] =	wrdreg s16  }
0xb6: {  	[dreg:$0x4] =	wrdreg $0xFD000  }
0xb7: {  	[dreg:$0x5] =	wrdreg $0x9  }
0xb8: {  	_ =	task.clear_ibuf [dreg:s7], $0x6FFFF;
	_ =	strace $0x90000046  }
0xb9: {  	s29 =	simm.s32 $0x9;
	_ =	strace $0x80000048  }
0xba: {  	_ =	swait.ge [sflag:s29], $0x1  }
0xbb: {  	[sflag:s29] =	ssyncadd.s32 $0xFFFFFFFF  }
0xbc: {  	_ =	strace $0x90000048  }
0xbd: {  	_ =	sfence  }
0xbe: {  	s30 =	sld [smem:$0x0];
	_ =	sdelay $0x2  }
0xbf: {  	s31 =	sshll.u32 s1, $0xD;
	s1 =	sshrl.u32 s1, $0x2  }
0xc0: {  	s3 =	sand.u32 $0x4000, s31;
	s1 =	sadd.s32 s1, s30  }
0xc1: {  	s0 =	sor.u32 s3, s0;
	s1 =	sshll.u32 s1, $0x11  }
0xc2: {  	s0 =	sor.u32 s1, s0  }
0xc3: {  	s0 =	sadd.s32 $0x8F2B, s0  }
0xc4: {  	[sflag:s0] =	ssyncadd.remote.s32 $0x1  }
0xc5: {  	_ =	sfence.sel $0xFFFF  }
0xc6: {  	[dreg:$0x0] =	wrdreg $0xFFFFFFFF;
	(pc) =	sbr.abs _section_cstart, $3  }
0xc7: {  	[dreg:$0x1] =	wrdreg $0xFFFFFFFF  }
0xc8: {  	_ =	task.clear_ibuf [dreg:s7], $0x2FFFF;
	_ =	strace $0x9FFFFFFF  }
0xc9: {  	(tm) =	ssettm $0x7FFFFFFF  }
tec
execute0_lowered:
.L_overlay_start_1:
0x0: {  	(tag) =	ssettag $0x1  }
0x1: {  	s0 =	rddreg [dreg:$0x0]  }
0x2: {  	s1 =	rddreg [dreg:$0x1]  }
0x3: {  	s2 =	rddreg [dreg:$0x2]  }
0x4: {  	s3 =	simm.s32 $0x0;
	s13 =	stileid.u32;
	s4 =	srdreg.scid  }
0x5: {  	s14 =	simm.s32 $0x9D00;
	s15 =	simm.s32 $0xB500;
	s17 =	simm.s32 $0xCD00  }
0x6: {  	s18 =	simm.s32 $0x1;
	s20 =	simm.s32 $0xE500;
	s21 =	simm.s32 $0x2  }
0x7: {  	s23 =	simm.s32 $0x5;
	s29 =	simm.s32 $0x6;
	s31 =	simm.s32 $0x4  }
0x8: {  	s16 =	simm.s32 $0x8;
	s19 =	simm.s32 $0x9C80;
	s22 =	simm.s32 $0x9CC0  }
0x9: {  	[smem:$0x7FF] =	sst s3;
	s6 =	smul.u32 $0x4E80, s13;
	s5 =	sand.u32 $0x1, s4  }
0xa: {  	s4 =	sadd.s32 $0x4EE00, s0;
	s12 =	smul.u32 $0xED00, s13;
	s26 =	sshll.u32 s13, $0x6  }
0xb: {  	s13 =	simm.s32 $0x40;
	_ =	strace $0x80000047;
	s8 =	smul.u32 $0x1DA00, s5  }
0xc: {  	s24 =	ssub.s32 $0x2, s5;
	s10 =	smul.u32 $0x4E800, s5;
	s5 =	sadd.s32 $0x93600, s0  }
0xd: {  	s7 =	sshrl.u32 s6, $0x3;
	s11 =	sshrl.u32 s24, $0x1;
	s25 =	sadd.s32 s12, s2  }
0xe: {  	s30 =	sshrl.u32 s12, $0x3;
	s12 =	simm.s32 $0x4E80;
	s9 =	sadd.s32 s7, s0  }
0xf: {  	s0 =	sadd.s32 s8, s0;
	s11 =	ssub.s32 s24, s11;
	s6 =	sadd.s32 s6, s10  }
0x10: {  	s10 =	sshrl.u32 s25, $0x3;
	s25 =	simm.s32 $0x0;
	s28 =	sshrl.u32 s6, $0x3  }
0x11: {  	s6 =	sor.u32 $0x1C09, s26;
	s8 =	sadd.s32 $0x89800, s9;
	s0 =	sadd.s32 $0x95400, s0  }
0x12: {  	s9 =	smax.u32 s11, $0x1;
	s11 =	simm.s32 $0x9;
	s26 =	simm.s32 $0x3  }
0x13: {  	s7 =	sadd.s32 s1, s28;
	s24 =	sadd.s32 s30, s0;
	s1 =	simm.s32 $0x7  }
.LBB2_1:
0x14: {  	[spmem:s10], [sflag:s6] =	dma.local [hbm:s5], $0x1DA0  }
0x15: {  	_ =	swait.ge [sflag:s11], $0x1DA0  }
0x16: {  	[sflag:s11] =	ssyncset.done $0x0  }
0x17: {  	[sflag:s11] =	ssyncadd.s32 $0xFFFFE260  }
0x18: {  	[bflag:$0x0] =	sbarrier.arrive $0xFFFF  }
0x19: {  	[tilespmem:s3], [sflag:$0x9] =	stream.linear.gather [hbm4b:s7+s3], $0x4E80, $0x38;
	[tilespmem:$0x1EA00] =	vst v63  }
0x1a: {  	_ =	swait.ge [sflag:s11], $0x4E80  }
0x1b: {  	[sflag:s11] =	ssyncset.done $0x0  }
0x1c: {  	[sflag:s11] =	ssyncadd.s32 $0xFFFFB180  }
0x1d: {  	[tilespmem:s12], [sflag:$0x9] =	stream.linear.gather [hbm4b:s8+s3], $0x4E80, $0x38;
	[tilespmem:$0x1EA00] =	vst v63  }
0x1e: {  	_ =	swait.ge [sflag:s11], $0x4E80  }
0x1f: {  	[sflag:s11] =	ssyncset.done $0x0  }
0x20: {  	[sflag:s11] =	ssyncadd.s32 $0xFFFFB180  }
0x21: {  	[tilespmem:s14], [sflag:$0x1] =	stream.indirect.gather [hbm4b:s4+s13], $0x60, s3, s13, $0xb8;
	[tilespmem:$0x1EA00] =	vst v63  }
0x22: {  	_ = 	snop  }
0x23: {  	[tilespmem:s15], [sflag:$0x2] =	stream.indirect.gather [hbm4b:s4+s13], $0x60, s13, s13, $0xb8;
	[tilespmem:$0x1EA00] =	vst v63  }
0x24: {  	s0 =	simm.s32 $0x80  }
0x25: {  	[tilespmem:s17], [sflag:$0x3] =	stream.indirect.gather [hbm4b:s4+s13], $0x60, s0, s13, $0xb8;
	[tilespmem:$0x1EA00] =	vst v63  }
0x26: {  	_ =	swait.ge [sflag:s18], $0x1800  }
0x27: {  	[sflag:s18] =	ssyncset.done $0x0  }
0x28: {  	[sflag:s18] =	ssyncadd.s32 $0xFFFFE800  }
0x29: {  	[spmem:s2] =	stream.indirect.scatter.add.f32 [tilespmem:s14], [sflag:$0x5], $0x60, s12, s13, $0xb8;
	[tilespmem:$0x1EA00] =	vst v63  }
0x2a: {  	s0 =	simm.s32 $0xC0  }
0x2b: {  	[tilespmem:s20], [sflag:$0x4] =	stream.indirect.gather [hbm4b:s4+s13], $0x60, s0, s13, $0xb8;
	[tilespmem:$0x1EA00] =	vst v63  }
0x2c: {  	_ =	swait.ge [sflag:s21], $0x1800  }
0x2d: {  	[sflag:s21] =	ssyncset.done $0x0  }
0x2e: {  	s0 =	simm.s32 $0x4EC0;
	[sflag:s21] =	ssyncadd.s32 $0xFFFFE800  }
0x2f: {  	[spmem:s2] =	stream.indirect.scatter.add.f32 [tilespmem:s15], [sflag:$0x6], $0x60, s0, s13, $0xb8;
	[tilespmem:$0x1EA00] =	vst v63  }
0x30: {  	_ =	swait.ge [sflag:s23], $0x1800  }
0x31: {  	[sflag:s23] =	ssyncset.done $0x0  }
0x32: {  	s0 =	simm.s32 $0x100;
	[sflag:s23] =	ssyncadd.s32 $0xFFFFE800  }
0x33: {  	[tilespmem:s14], [sflag:$0x1] =	stream.indirect.gather [hbm4b:s4+s13], $0x60, s0, s13, $0xb8;
	[tilespmem:$0x1EA00] =	vst v63  }
0x34: {  	_ =	swait.ge [sflag:s26], $0x1800  }
0x35: {  	[sflag:s26] =	ssyncset.done $0x0  }
0x36: {  	s0 =	simm.s32 $0x4F00;
	[sflag:s26] =	ssyncadd.s32 $0xFFFFE800  }
0x37: {  	[spmem:s2] =	stream.indirect.scatter.add.f32 [tilespmem:s17], [sflag:$0x7], $0x60, s0, s13, $0xb8;
	[tilespmem:$0x1EA00] =	vst v63  }
0x38: {  	_ =	swait.ge [sflag:s29], $0x1800  }
0x39: {  	[sflag:s29] =	ssyncset.done $0x0  }
0x3a: {  	s0 =	simm.s32 $0x140;
	[sflag:s29] =	ssyncadd.s32 $0xFFFFE800  }
0x3b: {  	[tilespmem:s15], [sflag:$0x2] =	stream.indirect.gather [hbm4b:s4+s13], $0x60, s0, s13, $0xb8;
	[tilespmem:$0x1EA00] =	vst v63  }
0x3c: {  	_ =	swait.ge [sflag:s31], $0x1800  }
0x3d: {  	[sflag:s31] =	ssyncset.done $0x0  }
0x3e: {  	s0 =	simm.s32 $0x4F40;
	[sflag:s31] =	ssyncadd.s32 $0xFFFFE800  }
0x3f: {  	[spmem:s2] =	stream.indirect.scatter.add.f32 [tilespmem:s20], [sflag:$0x8], $0x60, s0, s13, $0xb8;
	[tilespmem:$0x1EA00] =	vst v63  }
0x40: {  	_ =	swait.ge [sflag:s1], $0x1800  }
0x41: {  	[sflag:s1] =	ssyncset.done $0x0  }
0x42: {  	s28 =	simm.s32 $0x180;
	[sflag:s1] =	ssyncadd.s32 $0xFFFFE800  }
0x43: {  	[tilespmem:s17], [sflag:$0x3] =	stream.indirect.gather [hbm4b:s4+s13], $0x60, s28, s13, $0xb8;
	[tilespmem:$0x1EA00] =	vst v63  }
0x44: {  	_ =	swait.ge [sflag:s18], $0x1800  }
0x45: {  	[sflag:s18] =	ssyncset.done $0x0  }
0x46: {  	s28 =	simm.s32 $0x4F80;
	[sflag:s18] =	ssyncadd.s32 $0xFFFFE800  }
0x47: {  	[spmem:s2] =	stream.indirect.scatter.add.f32 [tilespmem:s14], [sflag:$0x5], $0x60, s28, s13, $0xb8;
	[tilespmem:$0x1EA00] =	vst v63  }
0x48: {  	_ =	swait.ge [sflag:s16], $0x1800  }
0x49: {  	[sflag:s16] =	ssyncset.done $0x0  }
0x4a: {  	s28 =	simm.s32 $0x1C0;
	[sflag:s16] =	ssyncadd.s32 $0xFFFFE800  }
0x4b: {  	[tilespmem:s20], [sflag:$0x4] =	stream.indirect.gather [hbm4b:s4+s13], $0x60, s28, s13, $0xb8;
	[tilespmem:$0x1EA00] =	vst v63  }
0x4c: {  	_ =	swait.ge [sflag:s21], $0x1800  }
0x4d: {  	[sflag:s21] =	ssyncset.done $0x0  }
0x4e: {  	s28 =	simm.s32 $0x4FC0;
	[sflag:s21] =	ssyncadd.s32 $0xFFFFE800  }
0x4f: {  	[spmem:s2] =	stream.indirect.scatter.add.f32 [tilespmem:s15], [sflag:$0x6], $0x60, s28, s13, $0xb8;
	[tilespmem:$0x1EA00] =	vst v63  }
0x50: {  	_ =	swait.ge [sflag:s23], $0x1800  }
0x51: {  	[sflag:s23] =	ssyncset.done $0x0  }
0x52: {  	s28 =	simm.s32 $0x200;
	[sflag:s23] =	ssyncadd.s32 $0xFFFFE800  }
0x53: {  	[tilespmem:s14], [sflag:$0x1] =	stream.indirect.gather [hbm4b:s4+s13], $0x60, s28, s13, $0xb8;
	[tilespmem:$0x1EA00] =	vst v63  }
0x54: {  	_ =	swait.ge [sflag:s26], $0x1800  }
0x55: {  	[sflag:s26] =	ssyncset.done $0x0  }
0x56: {  	s28 =	simm.s32 $0x5000;
	[sflag:s26] =	ssyncadd.s32 $0xFFFFE800  }
0x57: {  	[spmem:s2] =	stream.indirect.scatter.add.f32 [tilespmem:s17], [sflag:$0x7], $0x60, s28, s13, $0xb8;
	[tilespmem:$0x1EA00] =	vst v63  }
0x58: {  	_ =	swait.ge [sflag:s29], $0x1800  }
0x59: {  	[sflag:s29] =	ssyncset.done $0x0  }
0x5a: {  	s28 =	simm.s32 $0x240;
	[sflag:s29] =	ssyncadd.s32 $0xFFFFE800  }
0x5b: {  	[tilespmem:s15], [sflag:$0x2] =	stream.indirect.gather [hbm4b:s4+s13], $0x60, s28, s13, $0xb8;
	[tilespmem:$0x1EA00] =	vst v63  }
0x5c: {  	_ =	swait.ge [sflag:s31], $0x1800  }
0x5d: {  	[sflag:s31] =	ssyncset.done $0x0  }
0x5e: {  	s30 =	simm.s32 $0x5040;
	s28 =	simm.s32 $0x400;
	[sflag:s31] =	ssyncadd.s32 $0xFFFFE800  }
.LBB2_2:
0x5f: {  	[spmem:s2] =	stream.indirect.scatter.add.f32 [tilespmem:s20], [sflag:$0x8], $0x60, s30, s13, $0xb8;
	[tilespmem:$0x1EA00] =	vst v63  }
0x60: {  	s30 =	smov.u32 s28  }
0x61: {  	p0 =	sne.s32 s28, $0x13000;
	s28 =	sadd.s32 $0x400, s28;
	_ =	swait.ge [sflag:s1], $0x1800  }
0x62: {  	s30 =	sshra.s32 s30, $0x2;
	[sflag:s1] =	ssyncset.done $0x0  }
0x63: {  	s0 =	sadd.s32 $0x180, s30;
	[sflag:s1] =	ssyncadd.s32 $0xFFFFE800  }
0x64: {  	[tilespmem:s17], [sflag:$0x3] =	stream.indirect.gather [hbm4b:s4+s13], $0x60, s0, s13, $0xb8;
	[tilespmem:$0x1EA00] =	vst v63  }
0x65: {  	_ =	swait.ge [sflag:s18], $0x1800  }
0x66: {  	[sflag:s18] =	ssyncset.done $0x0  }
0x67: {  	s0 =	sadd.s32 $0x4F80, s30;
	[sflag:s18] =	ssyncadd.s32 $0xFFFFE800  }
0x68: {  	[spmem:s2] =	stream.indirect.scatter.add.f32 [tilespmem:s14], [sflag:$0x5], $0x60, s0, s13, $0xb8;
	[tilespmem:$0x1EA00] =	vst v63  }
0x69: {  	_ =	swait.ge [sflag:s16], $0x1800  }
0x6a: {  	[sflag:s16] =	ssyncset.done $0x0  }
0x6b: {  	s0 =	sadd.s32 $0x1C0, s30;
	[sflag:s16] =	ssyncadd.s32 $0xFFFFE800  }
0x6c: {  	[tilespmem:s20], [sflag:$0x4] =	stream.indirect.gather [hbm4b:s4+s13], $0x60, s0, s13, $0xb8;
	[tilespmem:$0x1EA00] =	vst v63  }
0x6d: {  	_ =	swait.ge [sflag:s21], $0x1800  }
0x6e: {  	[sflag:s21] =	ssyncset.done $0x0  }
0x6f: {  	s0 =	sadd.s32 $0x4FC0, s30;
	[sflag:s21] =	ssyncadd.s32 $0xFFFFE800  }
0x70: {  	[spmem:s2] =	stream.indirect.scatter.add.f32 [tilespmem:s15], [sflag:$0x6], $0x60, s0, s13, $0xb8;
	[tilespmem:$0x1EA00] =	vst v63  }
0x71: {  	_ =	swait.ge [sflag:s23], $0x1800  }
0x72: {  	[sflag:s23] =	ssyncset.done $0x0  }
0x73: {  	s0 =	sadd.s32 $0x200, s30;
	[sflag:s23] =	ssyncadd.s32 $0xFFFFE800  }
0x74: {  	[tilespmem:s14], [sflag:$0x1] =	stream.indirect.gather [hbm4b:s4+s13], $0x60, s0, s13, $0xb8;
	[tilespmem:$0x1EA00] =	vst v63  }
0x75: {  	_ =	swait.ge [sflag:s26], $0x1800  }
0x76: {  	[sflag:s26] =	ssyncset.done $0x0  }
0x77: {  	s0 =	sadd.s32 $0x5000, s30;
	[sflag:s26] =	ssyncadd.s32 $0xFFFFE800  }
0x78: {  	[spmem:s2] =	stream.indirect.scatter.add.f32 [tilespmem:s17], [sflag:$0x7], $0x60, s0, s13, $0xb8;
	[tilespmem:$0x1EA00] =	vst v63  }
0x79: {  	_ =	swait.ge [sflag:s29], $0x1800  }
0x7a: {  	[sflag:s29] =	ssyncset.done $0x0  }
.Ltmp0:
0x7b: {  	s0 =	sadd.s32 $0x240, s30;
	[sflag:s29] =	ssyncadd.s32 $0xFFFFE800;
	(pc) =	sbr.rel @p0 .LBB2_2-.Ltmp0, $4  }
0x7c: {  	[tilespmem:s15], [sflag:$0x2] =	stream.indirect.gather [hbm4b:s4+s13], $0x60, s0, s13, $0xb8;
	[tilespmem:$0x1EA00] =	vst v63  }
0x7d: {  	_ =	swait.ge [sflag:s31], $0x1800  }
0x7e: {  	[sflag:s31] =	ssyncset.done $0x0  }
0x7f: {  	s30 =	sadd.s32 $0x5040, s30;
	[sflag:s31] =	ssyncadd.s32 $0xFFFFE800  }
0x80: {  	[spmem:s2] =	stream.indirect.scatter.add.f32 [tilespmem:s20], [sflag:$0x8], $0x60, s30, s13, $0xb8;
	[tilespmem:$0x1EA00] =	vst v63  }
0x81: {  	_ =	swait.ge [sflag:s18], $0x1800  }
0x82: {  	[sflag:s18] =	ssyncset.done $0x0  }
0x83: {  	[sflag:s18] =	ssyncadd.s32 $0xFFFFE800  }
0x84: {  	[spmem:s2] =	stream.indirect.scatter.add.f32 [tilespmem:s14], [sflag:$0x5], $0x60, s19, s13, $0xb8;
	[tilespmem:$0x1EA00] =	vst v63  }
0x85: {  	_ =	swait.ge [sflag:s21], $0x1800  }
0x86: {  	[sflag:s21] =	ssyncset.done $0x0  }
0x87: {  	[sflag:s21] =	ssyncadd.s32 $0xFFFFE800  }
0x88: {  	[spmem:s2] =	stream.indirect.scatter.add.f32 [tilespmem:s15], [sflag:$0x6], $0x60, s22, s13, $0xb8;
	[tilespmem:$0x1EA00] =	vst v63  }
0x89: {  	_ =	swait.ge [sflag:s1], $0x1800  }
0x8a: {  	[sflag:s1] =	ssyncset.done $0x0  }
0x8b: {  	[sflag:s1] =	ssyncadd.s32 $0xFFFFE800  }
0x8c: {  	_ =	swait.ge [sflag:s16], $0x1800  }
0x8d: {  	[sflag:s16] =	ssyncset.done $0x0  }
0x8e: {  	[sflag:s16] =	ssyncadd.s32 $0xFFFFE800  }
0x8f: {  	_ =	swait.ge [sflag:s23], $0x1800  }
0x90: {  	[sflag:s23] =	ssyncset.done $0x0  }
0x91: {  	[sflag:s23] =	ssyncadd.s32 $0xFFFFE800  }
0x92: {  	_ =	swait.ge [sflag:s29], $0x1800  }
0x93: {  	s25 =	sadd.s32 $0x1, s25;
	[sflag:s29] =	ssyncset.done $0x0  }
0x94: {  	p0 =	sne.s32 s25, s9;
	[sflag:s29] =	ssyncadd.s32 $0xFFFFE800  }
.Ltmp1:
0x95: {  	[bflag:$0x0] =	sbarrier.arrive $0xFFFF;
	(pc) =	sbr.rel @p0 .LBB2_1-.Ltmp1, $4  }
0x96: {  	[hbm:s24], [sflag:s6] =	dma.local [spmem:s10], $0x1DA0  }
0x97: {  	_ =	swait.ge [sflag:s11], $0x1DA0  }
0x98: {  	[sflag:s11] =	ssyncset.done $0x0  }
0x99: {  	[sflag:s11] =	ssyncadd.s32 $0xFFFFE260  }
0x9a: {  	_ =	sfence.sel $0x180000  }
0x9b: {  	[bflag:$0x0] =	sbarrier.arrive $0xFFFF  }
0x9c: {  	_ =	strace $0x90000047  }
0x9d: {  	s0 =	stileid.u32;
	[bflag:$0x2] =	sbarrier.arrive $0xFFFF  }
0x9e: {  	p0 =	sne.s32 s0, $0x0;
	s0 =	rddreg [dreg:$0x3]  }
0x9f: {  	s0 =	sadd.s32 @!p0 $0x100000, s0  }
0xa0: {  	[sflag:s0] =	ssyncadd.tile.s32 @!p0 $0x1;
	_ =	shalt  }
.Lfunc_end2:
_tile_overlayer_lowered:
.L_overlay_start_2:
0xa1: {  	(tag) =	ssettag $0x2  }
0xa2: {  	s0 =	rddreg [dreg:$0x0];
	s2 =	stileid.u32  }
0xa3: {  	s1 =	rddreg [dreg:$0x1];
	p0 =	sne.s32 s2, $0x0  }
0xa4: {  	s3 =	rddreg [dreg:$0x2];
	[bflag:$0x3] =	sbarrier.arrive $0xFFFF;
	s2 =	simm.s32 @!p0 $0x1C09  }
0xa5: {  	[timem:s3], [sflag:s2] =	dma.local @!p0 [hbm:s0], s1  }
0xa6: {  	s0 =	simm.s32 @!p0 $0x9  }
0xa7: {  	_ =	swait.ge @!p0 [sflag:s0], s1  }
0xa8: {  	s1 =	ssub.s32 @!p0 $0x0, s1;
	[sflag:s0] =	ssyncset.done @!p0 $0x0  }
0xa9: {  	[sflag:s0] =	ssyncadd.s32 @!p0 s1  }
0xaa: {  	[bflag:$0x3] =	sbarrier.arrive $0xFFFF  }
0xab: {  	_ =	shalt  }

</sc_bundles>
